<compile_context>
chip_gen: v7x
topology: tpu7x:2x2x1
jax: 0.10.2.dev20260603
libtpu: 0.0.44.dev20260713+nightly
codegen_flags: <defaults>
</compile_context>

<pallas_src>
import functools

import jax
import jax.numpy as jnp
from jax import lax
from jax.experimental import pallas as pl
from jax.experimental.pallas import tpu as pltpu
from jax.experimental.pallas import tpu_sc as plsc

N = 10000
E = 320000
D = 128
G = 64
C = 10

NPAD = 10240
RPT = NPAD // 16
NW = 32
STEP = 128
NSTEPS = 81
NS_FAST = 95
NS_SLOW = 67
NS_MAX = 96
FAST_CORE = 1
EPAD = 16 * (NS_FAST + NS_SLOW) * STEP

_mesh = plsc.VectorSubcoreMesh(core_axis_name="c", subcore_axis_name="s")



@functools.partial(
    pl.kernel,
    mesh=_mesh,
    out_type=jax.ShapeDtypeStruct((2, NPAD), jnp.float32),
    scratch_types=[
        pltpu.VMEM((NSTEPS, STEP), jnp.int32),
        pltpu.VMEM((STEP,), jnp.float32),
        pltpu.VMEM_SHARED((NPAD,), jnp.float32),
        pltpu.SemaphoreType.DMA,
    ],
)
def _deg(dst_hbm, zeros1_hbm, out_hbm, dst_v, ones_v, acc, sem):
    c = lax.axis_index("c")
    s = lax.axis_index("s")
    wid = s * 2 + c
    for i in range(STEP // 16):
        ones_v[pl.ds(i * 16, 16)] = jnp.ones((16,), jnp.float32)
    pltpu.sync_copy(zeros1_hbm.at[pl.ds(s * RPT, RPT)],
                    acc.at[pl.ds(s * RPT, RPT)])
    pltpu.sync_copy(dst_hbm.at[wid], dst_v)
    plsc.subcore_barrier()

    def body(j, carry):
        pltpu.sync_copy(ones_v, acc.at[dst_v.at[j]], add=True)
        return carry

    lax.fori_loop(0, NSTEPS, body, 0)
    plsc.subcore_barrier()
    pltpu.sync_copy(acc.at[pl.ds(s * RPT, RPT)],
                    out_hbm.at[c, pl.ds(s * RPT, RPT)])


def _make_agg(H):
    @functools.partial(
        pl.kernel,
        mesh=_mesh,
        out_type=jax.ShapeDtypeStruct((2, NPAD, H), jnp.float32),
        scratch_types=[
            pltpu.VMEM((NS_MAX, STEP), jnp.int32),
            pltpu.VMEM((NS_MAX, STEP), jnp.int32),
            pltpu.VMEM((STEP, H), jnp.float32),
            pltpu.VMEM_SHARED((NPAD, H), jnp.float32),
            pltpu.SemaphoreType.DMA,
        ],
    )
    def _agg(zs_hbm, src_hbm, dst_hbm, zeros_hbm, out_hbm,
             src_v, dst_v, rows0, acc, gsem0):
        c = lax.axis_index("c")
        s = lax.axis_index("s")
        ns = jnp.where(c == FAST_CORE, NS_FAST, NS_SLOW)
        pltpu.sync_copy(zeros_hbm.at[pl.ds(s * RPT, RPT)],
                        acc.at[pl.ds(s * RPT, RPT)])
        pltpu.sync_copy(src_hbm.at[c, s], src_v)
        pltpu.sync_copy(dst_hbm.at[c, s], dst_v)
        plsc.subcore_barrier()

        def body(j, carry):
            pltpu.async_copy(zs_hbm.at[src_v.at[j]], rows0, gsem0).wait()
            pltpu.sync_copy(rows0, acc.at[dst_v.at[j]], add=True)
            return carry

        lax.fori_loop(0, ns, body, 0)
        plsc.subcore_barrier()
        pltpu.sync_copy(acc.at[pl.ds(s * RPT, RPT)],
                        out_hbm.at[c, pl.ds(s * RPT, RPT)])

    return _agg


_agg128 = _make_agg(128)



def _stage0_body(d0_ref, d1_ref, x_ref, w_ref, dinv_ref, zs_ref):
    deg = d0_ref[...] + d1_ref[...]
    dinv = lax.rsqrt(deg)
    dinv_ref[...] = dinv
    zs_ref[...] = jnp.dot(x_ref[...] * dinv, w_ref[...],
                          preferred_element_type=jnp.float32)


def _stage0(d0, d1, x, w):
    return pl.pallas_call(
        _stage0_body,
        out_shape=[jax.ShapeDtypeStruct((N, 1), jnp.float32),
                   jax.ShapeDtypeStruct((N, D), jnp.float32)],
    )(d0, d1, x, w)


def _stage_mid_body(a0_ref, a1_ref, dinv_ref, b_ref, g_ref, be_ref, w_ref,
                    zs_ref):
    dinv = dinv_ref[...]
    pre = (a0_ref[:N] + a1_ref[:N]) * dinv + b_ref[...]
    m = jnp.mean(pre, axis=0, keepdims=True)
    cen = pre - m
    var = jnp.mean(cen * cen, axis=0, keepdims=True)
    h = g_ref[...] * cen * lax.rsqrt(var + 1e-5) + be_ref[...]
    h = jnp.maximum(h, 0.0)
    zs_ref[...] = jnp.dot(h * dinv, w_ref[...],
                          preferred_element_type=jnp.float32)


def _stage_mid(a0, a1, dinv, b, g, be, w):
    hin, hout = w.shape
    return pl.pallas_call(
        _stage_mid_body,
        out_shape=jax.ShapeDtypeStruct((N, hout), jnp.float32),
    )(a0, a1, dinv, b.reshape(1, hin), g.reshape(1, hin), be.reshape(1, hin), w)


def _stage_final_body(a0_ref, a1_ref, dinv_ref, b_ref, g_ref, be_ref,
                      batch_ref, wl_ref, bl_ref, out_ref):
    pre = (a0_ref[:N, :64] + a1_ref[:N, :64]) * dinv_ref[...] + b_ref[...]
    m = jnp.mean(pre, axis=0, keepdims=True)
    cen = pre - m
    var = jnp.mean(cen * cen, axis=0, keepdims=True)
    h = g_ref[...] * cen * lax.rsqrt(var + 1e-5) + be_ref[...]
    h = jnp.maximum(h, 0.0)
    gids = lax.broadcasted_iota(jnp.int32, (1, G), 1)
    onehot = (batch_ref[...] == gids).astype(jnp.float32)
    counts = jnp.sum(onehot, axis=0)
    sums = lax.dot_general(onehot, h, (((0,), (0,)), ((), ())),
                           preferred_element_type=jnp.float32)
    pooled = sums / jnp.maximum(counts, 1.0)[:, None]
    logits = jnp.dot(pooled, wl_ref[...],
                     preferred_element_type=jnp.float32) + bl_ref[...]
    mx = jnp.max(logits, axis=1, keepdims=True)
    e = jnp.exp(logits - mx)
    out_ref[...] = e / jnp.sum(e, axis=1, keepdims=True)


def _stage_final(a0, a1, dinv, b, g, be, batch, wl, bl):
    hw = b.shape[0]
    return pl.pallas_call(
        _stage_final_body,
        out_shape=jax.ShapeDtypeStruct((G, C), jnp.float32),
    )(a0, a1, dinv, b.reshape(1, hw), g.reshape(1, hw), be.reshape(1, hw),
      batch.reshape(N, 1), wl, bl.reshape(1, C))



def kernel(x, edge_index, batch, W1, b1, g1, be1, W2, b2, g2, be2,
           W4, b4, g4, be4, W3, b3, g3, be3, Wl, bl):
    loop = jnp.arange(N, dtype=jnp.int32)
    pad = EPAD - (E + N)
    src = jnp.concatenate(
        [edge_index[0], loop, jnp.zeros((pad,), jnp.int32)])
    dst = jnp.concatenate(
        [edge_index[1], loop,
         N + (jnp.arange(pad, dtype=jnp.int32) % (NPAD - N))])
    nf = 16 * NS_FAST * STEP

    def _split(a, fill):
        f = a[:nf].reshape(16, NS_FAST, STEP)
        sl = a[nf:].reshape(16, NS_SLOW, STEP)
        f = jnp.pad(f, ((0, 0), (0, NS_MAX - NS_FAST), (0, 0)),
                    constant_values=fill)
        sl = jnp.pad(sl, ((0, 0), (0, NS_MAX - NS_SLOW), (0, 0)),
                     constant_values=fill)
        pair = [None, None]
        pair[FAST_CORE] = f
        pair[1 - FAST_CORE] = sl
        return jnp.stack(pair)

    src4 = _split(src, 0)
    dst4 = _split(dst, N)
    dst3 = dst.reshape(NW, NSTEPS, STEP)

    zeros1 = jnp.zeros((NPAD,), jnp.float32)
    zeros128 = jnp.zeros((NPAD, 128), jnp.float32)

    degp = _deg(dst3, zeros1)
    dinv, zs = _stage0(degp[0, :N, None], degp[1, :N, None], x, W1)

    a = _agg128(zs, src4, dst4, zeros128)
    zs = _stage_mid(a[0], a[1], dinv, b1, g1, be1, W2)
    a = _agg128(zs, src4, dst4, zeros128)
    zs = _stage_mid(a[0], a[1], dinv, b2, g2, be2, W4)
    a = _agg128(zs, src4, dst4, zeros128)
    zs = _stage_mid(a[0], a[1], dinv, b4, g4, be4,
                    jnp.pad(W3, ((0, 0), (0, 64))))
    a = _agg128(zs, src4, dst4, zeros128)
    return _stage_final(a[0], a[1], dinv, b3, g3, be3, batch, Wl, bl)

# --- scband reference (transcript-rebuilt; emitter-appended) ---
"""Pipeline reference for scband-graph-network-35003983462587 (READ-ONLY COPY).

The authoritative reference and input builder live on the scoring server;
editing this copy changes nothing except your own understanding.
"""

import jax, jax.numpy as jnp
import numpy as np

N = 10000
E = 320000
D = 128
H = 128
C = 10
G = 64

def _glorot(key, shape):
    lim = (6.0 / (shape[0] + shape[1])) ** 0.5
    return jax.random.uniform(key, shape, dtype=jnp.float32, minval=-lim, maxval=lim)

def setup_inputs(seed: int = 0):
    key = jax.random.key(seed)
    ks = jax.random.split(key, 12)
    inp = {}
    inp['x'] = jax.random.normal(ks[0], (N, D), dtype=jnp.float32)
    inp['edge_index'] = jax.random.randint(ks[1], (2, E), 0, N, dtype=jnp.int32)
    inp['batch'] = jnp.sort(jax.random.randint(ks[2], (N,), 0, G, dtype=jnp.int32))
    inp['W1'] = _glorot(ks[3], (D, H)); inp['b1'] = jnp.zeros((H,), jnp.float32)
    inp['g1'] = jnp.ones((H,), jnp.float32); inp['be1'] = jnp.zeros((H,), jnp.float32)
    inp['W2'] = _glorot(ks[4], (H, H)); inp['b2'] = jnp.zeros((H,), jnp.float32)
    inp['g2'] = jnp.ones((H,), jnp.float32); inp['be2'] = jnp.zeros((H,), jnp.float32)
    inp['W4'] = _glorot(ks[5], (H, H)); inp['b4'] = jnp.zeros((H,), jnp.float32)
    inp['g4'] = jnp.ones((H,), jnp.float32); inp['be4'] = jnp.zeros((H,), jnp.float32)
    inp['W3'] = _glorot(ks[6], (H, H // 2)); inp['b3'] = jnp.zeros((H // 2,), jnp.float32)
    inp['g3'] = jnp.ones((H // 2,), jnp.float32); inp['be3'] = jnp.zeros((H // 2,), jnp.float32)
    inp['Wl'] = _glorot(ks[7], (H // 2, C)); inp['bl'] = jnp.zeros((C,), jnp.float32)
    return inp

def reference(x, edge_index, batch, W1, b1, g1, be1, W2, b2, g2, be2, W4, b4, g4, be4, W3, b3, g3, be3, Wl, bl):
    # GCNConv with self-loops and symmetric normalization
    loop = jnp.arange(N, dtype=edge_index.dtype)
    src = jnp.concatenate([edge_index[0], loop])
    dst = jnp.concatenate([edge_index[1], loop])
    deg = jnp.zeros((N,), jnp.float32).at[dst].add(1.0)
    dinv = jax.lax.rsqrt(deg)
    norm = dinv[src] * dinv[dst]

    def conv(h, W, b):
        h = h @ W
        msg = h[src] * norm[:, None]
        return jnp.zeros((N, W.shape[1]), h.dtype).at[dst].add(msg) + b

    def bn(h, g, bta):
        m = jnp.mean(h, axis=0)
        v = jnp.var(h, axis=0)
        return g * (h - m) * jax.lax.rsqrt(v + 1e-5) + bta

    h = jax.nn.relu(bn(conv(x, W1, b1), g1, be1))
    h = jax.nn.relu(bn(conv(h, W2, b2), g2, be2))
    h = jax.nn.relu(bn(conv(h, W4, b4), g4, be4))
    h = jax.nn.relu(bn(conv(h, W3, b3), g3, be3))

    counts = jnp.zeros((G,), jnp.float32).at[batch].add(1.0)
    sums = jnp.zeros((G, h.shape[1]), h.dtype).at[batch].add(h)
    pooled = sums / jnp.maximum(counts, 1.0)[:, None]
    # dropout is identity in eval mode
    logits = pooled @ Wl + bl
    return jax.nn.softmax(logits, axis=1)

if __name__ == "__main__":
    import jax
    _d = setup_inputs()
    print(jax.jit(kernel)(*tuple(_d.values())))

</pallas_src>

<mosaic_0001>
#map = affine_map<(d0, d1) -> (0, 0, 0)>
#map1 = affine_map<(d0, d1) -> (0)>
#map2 = affine_map<(d0, d1) -> (0, 0)>
module attributes {stable_mosaic.version = 14 : i64} {
  func.func @_deg(%arg0: i32, %arg1: i32, %arg2: memref<32x81x128xi32, #tpu.memory_space<hbm>>, %arg3: memref<10240xf32, #tpu.memory_space<hbm>>, %arg4: memref<2x10240xf32, #tpu.memory_space<hbm>>, %arg5: memref<81x128xi32, #tpu.memory_space<vmem>>, %arg6: memref<128xf32, #tpu.memory_space<vmem>>, %arg7: memref<10240xf32, #tpu.memory_space<vmem_shared>>, %arg8: memref<!tpu.dma_semaphore, #tpu.memory_space<semaphore_mem>>) attributes {dimension_semantics = [#tpu.dimension_semantics<core_parallel>, #tpu.dimension_semantics<subcore_parallel>], iteration_bounds = array<i64: 2, 16>, scalar_prefetch = 0 : i64, scratch_operands = 4 : i64, tpu.core_type = #tpu.core_type<sc_vector_subcore>, window_params = [{transform_indices = #map}, {transform_indices = #map1}, {transform_indices = #map2}]} {
    %mul3A = arith.constant 2 : i32
    %mul3A_0 = arith.muli %arg1, %mul3A : i32
    %add3A = arith.addi %mul3A_0, %arg0 : i32
    %broadcast_in_dim3A = arith.constant 1.000000e+00 : f32
    %broadcast_in_dim3A_1 = vector.broadcast %broadcast_in_dim3A : f32 to vector<16xf32>
    %swap3A = arith.constant 0 : index
    %swap3A_2 = tpu.vector_load %arg6[%swap3A] {strides = array<i32>} : memref<128xf32, #tpu.memory_space<vmem>>, vector<16xf32>,
    %swap3A_3 = vector.shape_cast %swap3A_2 : vector<16xf32> to vector<16xf32>
    %swap3A_4 = vector.shape_cast %broadcast_in_dim3A_1 : vector<16xf32> to vector<16xf32>
    tpu.vector_store %arg6[%swap3A], %swap3A_4 {strides = array<i32>} : memref<128xf32, #tpu.memory_space<vmem>>, vector<16xf32>,
    %broadcast_in_dim3A_5 = arith.constant 1.000000e+00 : f32
    %broadcast_in_dim3A_6 = vector.broadcast %broadcast_in_dim3A_5 : f32 to vector<16xf32>
    %swap3A_7 = arith.constant 16 : index
    %swap3A_8 = tpu.vector_load %arg6[%swap3A_7] {strides = array<i32>} : memref<128xf32, #tpu.memory_space<vmem>>, vector<16xf32>,
    %swap3A_9 = vector.shape_cast %swap3A_8 : vector<16xf32> to vector<16xf32>
    %swap3A_10 = vector.shape_cast %broadcast_in_dim3A_6 : vector<16xf32> to vector<16xf32>
    tpu.vector_store %arg6[%swap3A_7], %swap3A_10 {strides = array<i32>} : memref<128xf32, #tpu.memory_space<vmem>>, vector<16xf32>,
    %broadcast_in_dim3A_11 = arith.constant 1.000000e+00 : f32
    %broadcast_in_dim3A_12 = vector.broadcast %broadcast_in_dim3A_11 : f32 to vector<16xf32>
    %swap3A_13 = arith.constant 32 : index
    %swap3A_14 = tpu.vector_load %arg6[%swap3A_13] {strides = array<i32>} : memref<128xf32, #tpu.memory_space<vmem>>, vector<16xf32>,
    %swap3A_15 = vector.shape_cast %swap3A_14 : vector<16xf32> to vector<16xf32>
    %swap3A_16 = vector.shape_cast %broadcast_in_dim3A_12 : vector<16xf32> to vector<16xf32>
    tpu.vector_store %arg6[%swap3A_13], %swap3A_16 {strides = array<i32>} : memref<128xf32, #tpu.memory_space<vmem>>, vector<16xf32>,
    %broadcast_in_dim3A_17 = arith.constant 1.000000e+00 : f32
    %broadcast_in_dim3A_18 = vector.broadcast %broadcast_in_dim3A_17 : f32 to vector<16xf32>
    %swap3A_19 = arith.constant 48 : index
    %swap3A_20 = tpu.vector_load %arg6[%swap3A_19] {strides = array<i32>} : memref<128xf32, #tpu.memory_space<vmem>>, vector<16xf32>,
    %swap3A_21 = vector.shape_cast %swap3A_20 : vector<16xf32> to vector<16xf32>
    %swap3A_22 = vector.shape_cast %broadcast_in_dim3A_18 : vector<16xf32> to vector<16xf32>
    tpu.vector_store %arg6[%swap3A_19], %swap3A_22 {strides = array<i32>} : memref<128xf32, #tpu.memory_space<vmem>>, vector<16xf32>,
    %broadcast_in_dim3A_23 = arith.constant 1.000000e+00 : f32
    %broadcast_in_dim3A_24 = vector.broadcast %broadcast_in_dim3A_23 : f32 to vector<16xf32>
    %swap3A_25 = arith.constant 64 : index
    %swap3A_26 = tpu.vector_load %arg6[%swap3A_25] {strides = array<i32>} : memref<128xf32, #tpu.memory_space<vmem>>, vector<16xf32>,
    %swap3A_27 = vector.shape_cast %swap3A_26 : vector<16xf32> to vector<16xf32>
    %swap3A_28 = vector.shape_cast %broadcast_in_dim3A_24 : vector<16xf32> to vector<16xf32>
    tpu.vector_store %arg6[%swap3A_25], %swap3A_28 {strides = array<i32>} : memref<128xf32, #tpu.memory_space<vmem>>, vector<16xf32>,
    %broadcast_in_dim3A_29 = arith.constant 1.000000e+00 : f32
    %broadcast_in_dim3A_30 = vector.broadcast %broadcast_in_dim3A_29 : f32 to vector<16xf32>
    %swap3A_31 = arith.constant 80 : index
    %swap3A_32 = tpu.vector_load %arg6[%swap3A_31] {strides = array<i32>} : memref<128xf32, #tpu.memory_space<vmem>>, vector<16xf32>,
    %swap3A_33 = vector.shape_cast %swap3A_32 : vector<16xf32> to vector<16xf32>
    %swap3A_34 = vector.shape_cast %broadcast_in_dim3A_30 : vector<16xf32> to vector<16xf32>
    tpu.vector_store %arg6[%swap3A_31], %swap3A_34 {strides = array<i32>} : memref<128xf32, #tpu.memory_space<vmem>>, vector<16xf32>,
    %broadcast_in_dim3A_35 = arith.constant 1.000000e+00 : f32
    %broadcast_in_dim3A_36 = vector.broadcast %broadcast_in_dim3A_35 : f32 to vector<16xf32>
    %swap3A_37 = arith.constant 96 : index
    %swap3A_38 = tpu.vector_load %arg6[%swap3A_37] {strides = array<i32>} : memref<128xf32, #tpu.memory_space<vmem>>, vector<16xf32>,
    %swap3A_39 = vector.shape_cast %swap3A_38 : vector<16xf32> to vector<16xf32>
    %swap3A_40 = vector.shape_cast %broadcast_in_dim3A_36 : vector<16xf32> to vector<16xf32>
    tpu.vector_store %arg6[%swap3A_37], %swap3A_40 {strides = array<i32>} : memref<128xf32, #tpu.memory_space<vmem>>, vector<16xf32>,
    %broadcast_in_dim3A_41 = arith.constant 1.000000e+00 : f32
    %broadcast_in_dim3A_42 = vector.broadcast %broadcast_in_dim3A_41 : f32 to vector<16xf32>
    %swap3A_43 = arith.constant 112 : index
    %swap3A_44 = tpu.vector_load %arg6[%swap3A_43] {strides = array<i32>} : memref<128xf32, #tpu.memory_space<vmem>>, vector<16xf32>,
    %swap3A_45 = vector.shape_cast %swap3A_44 : vector<16xf32> to vector<16xf32>
    %swap3A_46 = vector.shape_cast %broadcast_in_dim3A_42 : vector<16xf32> to vector<16xf32>
    tpu.vector_store %arg6[%swap3A_43], %swap3A_46 {strides = array<i32>} : memref<128xf32, #tpu.memory_space<vmem>>, vector<16xf32>,
    %mul3A_47 = arith.constant 640 : i32
    %mul3A_48 = arith.muli %arg1, %mul3A_47 : i32
    %mul3A_49 = arith.constant 640 : i32
    %mul3A_50 = arith.muli %arg1, %mul3A_49 : i32
    "tpu.region"() ({
      %run_scoped3A = tpu.sem_alloc : memref<!tpu.dma_semaphore, #tpu.memory_space<semaphore_mem>>
      %dma_start3A = tpu.memref_slice %arg7[%mul3A_50] : memref<10240xf32, #tpu.memory_space<vmem_shared>> -> memref<640xf32, #tpu.memory_space<vmem_shared>>
      %dma_start3A_61 = tpu.memref_slice %arg3[%mul3A_48] : memref<10240xf32, #tpu.memory_space<hbm>> -> memref<640xf32, #tpu.memory_space<hbm>>
      tpu.enqueue_dma source(%dma_start3A_61 : memref<640xf32, #tpu.memory_space<hbm>>) target(%dma_start3A : memref<640xf32, #tpu.memory_space<vmem_shared>>) target_semaphore(%run_scoped3A : memref<!tpu.dma_semaphore, #tpu.memory_space<semaphore_mem>>)
      %dma_wait3A = tpu.memref_slice %arg7[%mul3A_50] : memref<10240xf32, #tpu.memory_space<vmem_shared>> -> memref<640xf32, #tpu.memory_space<vmem_shared>>
      %dma_wait3A_62 = tpu.memref_slice %arg3[%mul3A_48] : memref<10240xf32, #tpu.memory_space<hbm>> -> memref<640xf32, #tpu.memory_space<hbm>>
      tpu.wait_dma2 semaphore(%run_scoped3A : memref<!tpu.dma_semaphore, #tpu.memory_space<semaphore_mem>>) src(%dma_wait3A_62 : memref<640xf32, #tpu.memory_space<hbm>>) dst(%dma_wait3A : memref<640xf32, #tpu.memory_space<vmem_shared>>)
      tpu.yield
    }) : () -> ()
    "tpu.region"() ({
      %run_scoped3A = tpu.sem_alloc : memref<!tpu.dma_semaphore, #tpu.memory_space<semaphore_mem>>
      %dma_start3A = arith.constant 0 : i32
      %dma_start3A_61 = arith.constant 0 : i32
      %dma_start3A_62 = tpu.memref_slice %arg2[%add3A, %dma_start3A, %dma_start3A_61] : memref<32x81x128xi32, #tpu.memory_space<hbm>> -> memref<1x81x128xi32, #tpu.memory_space<hbm>>
      %dma_start3A_63 = tpu.memref_squeeze %dma_start3A_62 : memref<1x81x128xi32, #tpu.memory_space<hbm>> -> memref<81x128xi32, #tpu.memory_space<hbm>>
      %dma_start3A_64 = arith.constant 0 : i32
      %dma_start3A_65 = arith.constant 0 : i32
      %dma_start3A_66 = tpu.memref_slice %arg2[%add3A, %dma_start3A_64, %dma_start3A_65] : memref<32x81x128xi32, #tpu.memory_space<hbm>> -> memref<1x81x128xi32, #tpu.memory_space<hbm>>
      %dma_start3A_67 = tpu.memref_squeeze %dma_start3A_66 : memref<1x81x128xi32, #tpu.memory_space<hbm>> -> memref<81x128xi32, #tpu.memory_space<hbm>>
      tpu.enqueue_dma source(%dma_start3A_67 : memref<81x128xi32, #tpu.memory_space<hbm>>) target(%arg5 : memref<81x128xi32, #tpu.memory_space<vmem>>) target_semaphore(%run_scoped3A : memref<!tpu.dma_semaphore, #tpu.memory_space<semaphore_mem>>)
      %dma_wait3A = arith.constant 0 : i32
      %dma_wait3A_68 = arith.constant 0 : i32
      %dma_wait3A_69 = tpu.memref_slice %arg2[%add3A, %dma_wait3A, %dma_wait3A_68] : memref<32x81x128xi32, #tpu.memory_space<hbm>> -> memref<1x81x128xi32, #tpu.memory_space<hbm>>
      %dma_wait3A_70 = tpu.memref_squeeze %dma_wait3A_69 : memref<1x81x128xi32, #tpu.memory_space<hbm>> -> memref<81x128xi32, #tpu.memory_space<hbm>>
      %dma_wait3A_71 = arith.constant 0 : i32
      %dma_wait3A_72 = arith.constant 0 : i32
      %dma_wait3A_73 = tpu.memref_slice %arg2[%add3A, %dma_wait3A_71, %dma_wait3A_72] : memref<32x81x128xi32, #tpu.memory_space<hbm>> -> memref<1x81x128xi32, #tpu.memory_space<hbm>>
      %dma_wait3A_74 = tpu.memref_squeeze %dma_wait3A_73 : memref<1x81x128xi32, #tpu.memory_space<hbm>> -> memref<81x128xi32, #tpu.memory_space<hbm>>
      tpu.wait_dma2 semaphore(%run_scoped3A : memref<!tpu.dma_semaphore, #tpu.memory_space<semaphore_mem>>) src(%dma_wait3A_74 : memref<81x128xi32, #tpu.memory_space<hbm>>) dst(%arg5 : memref<81x128xi32, #tpu.memory_space<vmem>>)
      tpu.yield
    }) : () -> ()
    %barrier3A = arith.constant 0 : index
    tpu.barrier barrier_id(%barrier3A)
    %scan3A = arith.constant 0 : i32
    %scan3A_51 = arith.constant 0 : i32
    %scan3A_52 = arith.constant 81 : i32
    %scan3A_53 = arith.addi %scan3A_51, %scan3A_52 : i32
    %scan3A_54 = arith.constant 1 : i32
    scf.for %scan3A_61 = %scan3A_51 to %scan3A_53 step %scan3A_54  : i32 {
      "tpu.region"() ({
        %run_scoped3A = tpu.sem_alloc : memref<!tpu.dma_semaphore, #tpu.memory_space<semaphore_mem>>
        %dma_start3A = arith.constant 0 : i32
        %dma_start3A_62 = tpu.memref_slice %arg5[%scan3A_61, %dma_start3A] : memref<81x128xi32, #tpu.memory_space<vmem>> -> memref<1x128xi32, #tpu.memory_space<vmem>>
        %dma_start3A_63 = tpu.memref_squeeze %dma_start3A_62 : memref<1x128xi32, #tpu.memory_space<vmem>> -> memref<128xi32, #tpu.memory_space<vmem>>
        %dma_start3A_64 = arith.constant 0 : i32
        %dma_start3A_65 = tpu.memref_slice %arg7[%dma_start3A_64] : memref<10240xf32, #tpu.memory_space<vmem_shared>> -> memref<10240xf32, #tpu.memory_space<vmem_shared>>
        tpu.enqueue_indirect_dma source(%arg6 : memref<128xf32, #tpu.memory_space<vmem>>) target(%dma_start3A_65 : memref<10240xf32, #tpu.memory_space<vmem_shared>>) offsets(%dma_start3A_63 : memref<128xi32, #tpu.memory_space<vmem>>) semaphore(%run_scoped3A : memref<!tpu.dma_semaphore, #tpu.memory_space<semaphore_mem>>) {add = true}
        %dma_wait3A = arith.constant 0 : i32
        %dma_wait3A_66 = tpu.memref_slice %arg5[%scan3A_61, %dma_wait3A] : memref<81x128xi32, #tpu.memory_space<vmem>> -> memref<1x128xi32, #tpu.memory_space<vmem>>
        %dma_wait3A_67 = tpu.memref_squeeze %dma_wait3A_66 : memref<1x128xi32, #tpu.memory_space<vmem>> -> memref<128xi32, #tpu.memory_space<vmem>>
        %dma_wait3A_68 = arith.constant 0 : i32
        %dma_wait3A_69 = tpu.memref_slice %arg7[%dma_wait3A_68] : memref<10240xf32, #tpu.memory_space<vmem_shared>> -> memref<10240xf32, #tpu.memory_space<vmem_shared>>
        tpu.wait_indirect_dma semaphore(%run_scoped3A : memref<!tpu.dma_semaphore, #tpu.memory_space<semaphore_mem>>) src(%arg6 : memref<128xf32, #tpu.memory_space<vmem>>) dst(%dma_wait3A_69 : memref<10240xf32, #tpu.memory_space<vmem_shared>>)
        tpu.yield
      }) : () -> ()
    }
    %scan3A_55 = arith.constant 81 : i32
    %barrier3A_56 = arith.constant 0 : index
    tpu.barrier barrier_id(%barrier3A_56)
    %mul3A_57 = arith.constant 640 : i32
    %mul3A_58 = arith.muli %arg1, %mul3A_57 : i32
    %mul3A_59 = arith.constant 640 : i32
    %mul3A_60 = arith.muli %arg1, %mul3A_59 : i32
    "tpu.region"() ({
      %run_scoped3A = tpu.sem_alloc : memref<!tpu.dma_semaphore, #tpu.memory_space<semaphore_mem>>
      %dma_start3A = tpu.memref_slice %arg4[%arg0, %mul3A_60] : memref<2x10240xf32, #tpu.memory_space<hbm>> -> memref<1x640xf32, #tpu.memory_space<hbm>>
      %dma_start3A_61 = tpu.memref_squeeze %dma_start3A : memref<1x640xf32, #tpu.memory_space<hbm>> -> memref<640xf32, #tpu.memory_space<hbm>>
      %dma_start3A_62 = tpu.memref_slice %arg7[%mul3A_58] : memref<10240xf32, #tpu.memory_space<vmem_shared>> -> memref<640xf32, #tpu.memory_space<vmem_shared>>
      tpu.enqueue_dma source(%dma_start3A_62 : memref<640xf32, #tpu.memory_space<vmem_shared>>) target(%dma_start3A_61 : memref<640xf32, #tpu.memory_space<hbm>>) target_semaphore(%run_scoped3A : memref<!tpu.dma_semaphore, #tpu.memory_space<semaphore_mem>>)
      %dma_wait3A = tpu.memref_slice %arg4[%arg0, %mul3A_60] : memref<2x10240xf32, #tpu.memory_space<hbm>> -> memref<1x640xf32, #tpu.memory_space<hbm>>
      %dma_wait3A_63 = tpu.memref_squeeze %dma_wait3A : memref<1x640xf32, #tpu.memory_space<hbm>> -> memref<640xf32, #tpu.memory_space<hbm>>
      %dma_wait3A_64 = tpu.memref_slice %arg7[%mul3A_58] : memref<10240xf32, #tpu.memory_space<vmem_shared>> -> memref<640xf32, #tpu.memory_space<vmem_shared>>
      tpu.wait_dma2 semaphore(%run_scoped3A : memref<!tpu.dma_semaphore, #tpu.memory_space<semaphore_mem>>) src(%dma_wait3A_64 : memref<640xf32, #tpu.memory_space<vmem_shared>>) dst(%dma_wait3A_63 : memref<640xf32, #tpu.memory_space<hbm>>)
      tpu.yield
    }) : () -> ()
    return
  }
}

#map = affine_map<(d0, d1) -> (0, 0)>
#map1 = affine_map<(d0, d1) -> (0, 0, 0, 0)>
#map2 = affine_map<(d0, d1) -> (0, 0, 0)>
module attributes {stable_mosaic.version = 14 : i64} {
  func.func @_agg(%arg0: i32, %arg1: i32, %arg2: memref<10000x128xf32, #tpu.memory_space<hbm>>, %arg3: memref<2x16x96x128xi32, #tpu.memory_space<hbm>>, %arg4: memref<2x16x96x128xi32, #tpu.memory_space<hbm>>, %arg5: memref<10240x128xf32, #tpu.memory_space<hbm>>, %arg6: memref<2x10240x128xf32, #tpu.memory_space<hbm>>, %arg7: memref<96x128xi32, #tpu.memory_space<vmem>>, %arg8: memref<96x128xi32, #tpu.memory_space<vmem>>, %arg9: memref<128x128xf32, #tpu.memory_space<vmem>>, %arg10: memref<10240x128xf32, #tpu.memory_space<vmem_shared>>, %arg11: memref<!tpu.dma_semaphore, #tpu.memory_space<semaphore_mem>>) attributes {dimension_semantics = [#tpu.dimension_semantics<core_parallel>, #tpu.dimension_semantics<subcore_parallel>], iteration_bounds = array<i64: 2, 16>, scalar_prefetch = 0 : i64, scratch_operands = 5 : i64, tpu.core_type = #tpu.core_type<sc_vector_subcore>, window_params = [{transform_indices = #map}, {transform_indices = #map1}, {transform_indices = #map1}, {transform_indices = #map}, {transform_indices = #map2}]} {
    %eq3A = arith.constant 1 : i32
    %eq3A_0 = arith.cmpi eq, %arg0, %eq3A : i32
    %jit3A = arith.constant 95 : i32
    %jit3A_1 = arith.constant 67 : i32
    %select_n3A = arith.select %eq3A_0, %jit3A, %jit3A_1 : i32
    %mul3A = arith.constant 640 : i32
    %mul3A_2 = arith.muli %arg1, %mul3A : i32
    %mul3A_3 = arith.constant 640 : i32
    %mul3A_4 = arith.muli %arg1, %mul3A_3 : i32
    "tpu.region"() ({
      %run_scoped3A = tpu.sem_alloc : memref<!tpu.dma_semaphore, #tpu.memory_space<semaphore_mem>>
      %dma_start3A = arith.constant 0 : i32
      %dma_start3A_19 = tpu.memref_slice %arg10[%mul3A_4, %dma_start3A] : memref<10240x128xf32, #tpu.memory_space<vmem_shared>> -> memref<640x128xf32, #tpu.memory_space<vmem_shared>>
      %dma_start3A_20 = arith.constant 0 : i32
      %dma_start3A_21 = tpu.memref_slice %arg5[%mul3A_2, %dma_start3A_20] : memref<10240x128xf32, #tpu.memory_space<hbm>> -> memref<640x128xf32, #tpu.memory_space<hbm>>
      tpu.enqueue_dma source(%dma_start3A_21 : memref<640x128xf32, #tpu.memory_space<hbm>>) target(%dma_start3A_19 : memref<640x128xf32, #tpu.memory_space<vmem_shared>>) target_semaphore(%run_scoped3A : memref<!tpu.dma_semaphore, #tpu.memory_space<semaphore_mem>>)
      %dma_wait3A = arith.constant 0 : i32
      %dma_wait3A_22 = tpu.memref_slice %arg10[%mul3A_4, %dma_wait3A] : memref<10240x128xf32, #tpu.memory_space<vmem_shared>> -> memref<640x128xf32, #tpu.memory_space<vmem_shared>>
      %dma_wait3A_23 = arith.constant 0 : i32
      %dma_wait3A_24 = tpu.memref_slice %arg5[%mul3A_2, %dma_wait3A_23] : memref<10240x128xf32, #tpu.memory_space<hbm>> -> memref<640x128xf32, #tpu.memory_space<hbm>>
      tpu.wait_dma2 semaphore(%run_scoped3A : memref<!tpu.dma_semaphore, #tpu.memory_space<semaphore_mem>>) src(%dma_wait3A_24 : memref<640x128xf32, #tpu.memory_space<hbm>>) dst(%dma_wait3A_22 : memref<640x128xf32, #tpu.memory_space<vmem_shared>>)
      tpu.yield
    }) : () -> ()
    "tpu.region"() ({
      %run_scoped3A = tpu.sem_alloc : memref<!tpu.dma_semaphore, #tpu.memory_space<semaphore_mem>>
      %dma_start3A = arith.constant 0 : i32
      %dma_start3A_19 = arith.constant 0 : i32
      %dma_start3A_20 = tpu.memref_slice %arg3[%arg0, %arg1, %dma_start3A, %dma_start3A_19] : memref<2x16x96x128xi32, #tpu.memory_space<hbm>> -> memref<1x1x96x128xi32, #tpu.memory_space<hbm>>
      %dma_start3A_21 = tpu.memref_squeeze %dma_start3A_20 : memref<1x1x96x128xi32, #tpu.memory_space<hbm>> -> memref<96x128xi32, #tpu.memory_space<hbm>>
      %dma_start3A_22 = arith.constant 0 : i32
      %dma_start3A_23 = arith.constant 0 : i32
      %dma_start3A_24 = tpu.memref_slice %arg3[%arg0, %arg1, %dma_start3A_22, %dma_start3A_23] : memref<2x16x96x128xi32, #tpu.memory_space<hbm>> -> memref<1x1x96x128xi32, #tpu.memory_space<hbm>>
      %dma_start3A_25 = tpu.memref_squeeze %dma_start3A_24 : memref<1x1x96x128xi32, #tpu.memory_space<hbm>> -> memref<96x128xi32, #tpu.memory_space<hbm>>
      tpu.enqueue_dma source(%dma_start3A_25 : memref<96x128xi32, #tpu.memory_space<hbm>>) target(%arg7 : memref<96x128xi32, #tpu.memory_space<vmem>>) target_semaphore(%run_scoped3A : memref<!tpu.dma_semaphore, #tpu.memory_space<semaphore_mem>>)
      %dma_wait3A = arith.constant 0 : i32
      %dma_wait3A_26 = arith.constant 0 : i32
      %dma_wait3A_27 = tpu.memref_slice %arg3[%arg0, %arg1, %dma_wait3A, %dma_wait3A_26] : memref<2x16x96x128xi32, #tpu.memory_space<hbm>> -> memref<1x1x96x128xi32, #tpu.memory_space<hbm>>
      %dma_wait3A_28 = tpu.memref_squeeze %dma_wait3A_27 : memref<1x1x96x128xi32, #tpu.memory_space<hbm>> -> memref<96x128xi32, #tpu.memory_space<hbm>>
      %dma_wait3A_29 = arith.constant 0 : i32
      %dma_wait3A_30 = arith.constant 0 : i32
      %dma_wait3A_31 = tpu.memref_slice %arg3[%arg0, %arg1, %dma_wait3A_29, %dma_wait3A_30] : memref<2x16x96x128xi32, #tpu.memory_space<hbm>> -> memref<1x1x96x128xi32, #tpu.memory_space<hbm>>
      %dma_wait3A_32 = tpu.memref_squeeze %dma_wait3A_31 : memref<1x1x96x128xi32, #tpu.memory_space<hbm>> -> memref<96x128xi32, #tpu.memory_space<hbm>>
      tpu.wait_dma2 semaphore(%run_scoped3A : memref<!tpu.dma_semaphore, #tpu.memory_space<semaphore_mem>>) src(%dma_wait3A_32 : memref<96x128xi32, #tpu.memory_space<hbm>>) dst(%arg7 : memref<96x128xi32, #tpu.memory_space<vmem>>)
      tpu.yield
    }) : () -> ()
    "tpu.region"() ({
      %run_scoped3A = tpu.sem_alloc : memref<!tpu.dma_semaphore, #tpu.memory_space<semaphore_mem>>
      %dma_start3A = arith.constant 0 : i32
      %dma_start3A_19 = arith.constant 0 : i32
      %dma_start3A_20 = tpu.memref_slice %arg4[%arg0, %arg1, %dma_start3A, %dma_start3A_19] : memref<2x16x96x128xi32, #tpu.memory_space<hbm>> -> memref<1x1x96x128xi32, #tpu.memory_space<hbm>>
      %dma_start3A_21 = tpu.memref_squeeze %dma_start3A_20 : memref<1x1x96x128xi32, #tpu.memory_space<hbm>> -> memref<96x128xi32, #tpu.memory_space<hbm>>
      %dma_start3A_22 = arith.constant 0 : i32
      %dma_start3A_23 = arith.constant 0 : i32
      %dma_start3A_24 = tpu.memref_slice %arg4[%arg0, %arg1, %dma_start3A_22, %dma_start3A_23] : memref<2x16x96x128xi32, #tpu.memory_space<hbm>> -> memref<1x1x96x128xi32, #tpu.memory_space<hbm>>
      %dma_start3A_25 = tpu.memref_squeeze %dma_start3A_24 : memref<1x1x96x128xi32, #tpu.memory_space<hbm>> -> memref<96x128xi32, #tpu.memory_space<hbm>>
      tpu.enqueue_dma source(%dma_start3A_25 : memref<96x128xi32, #tpu.memory_space<hbm>>) target(%arg8 : memref<96x128xi32, #tpu.memory_space<vmem>>) target_semaphore(%run_scoped3A : memref<!tpu.dma_semaphore, #tpu.memory_space<semaphore_mem>>)
      %dma_wait3A = arith.constant 0 : i32
      %dma_wait3A_26 = arith.constant 0 : i32
      %dma_wait3A_27 = tpu.memref_slice %arg4[%arg0, %arg1, %dma_wait3A, %dma_wait3A_26] : memref<2x16x96x128xi32, #tpu.memory_space<hbm>> -> memref<1x1x96x128xi32, #tpu.memory_space<hbm>>
      %dma_wait3A_28 = tpu.memref_squeeze %dma_wait3A_27 : memref<1x1x96x128xi32, #tpu.memory_space<hbm>> -> memref<96x128xi32, #tpu.memory_space<hbm>>
      %dma_wait3A_29 = arith.constant 0 : i32
      %dma_wait3A_30 = arith.constant 0 : i32
      %dma_wait3A_31 = tpu.memref_slice %arg4[%arg0, %arg1, %dma_wait3A_29, %dma_wait3A_30] : memref<2x16x96x128xi32, #tpu.memory_space<hbm>> -> memref<1x1x96x128xi32, #tpu.memory_space<hbm>>
      %dma_wait3A_32 = tpu.memref_squeeze %dma_wait3A_31 : memref<1x1x96x128xi32, #tpu.memory_space<hbm>> -> memref<96x128xi32, #tpu.memory_space<hbm>>
      tpu.wait_dma2 semaphore(%run_scoped3A : memref<!tpu.dma_semaphore, #tpu.memory_space<semaphore_mem>>) src(%dma_wait3A_32 : memref<96x128xi32, #tpu.memory_space<hbm>>) dst(%arg8 : memref<96x128xi32, #tpu.memory_space<vmem>>)
      tpu.yield
    }) : () -> ()
    %barrier3A = arith.constant 0 : index
    tpu.barrier barrier_id(%barrier3A)
    %while3A = arith.constant 0 : i32
    %while3A_5 = arith.constant 0 : i32
    %while3A_6 = arith.subi %select_n3A, %while3A_5 : i32
    %while3A_7 = arith.addi %while3A_5, %while3A_6 : i32
    %while3A_8 = arith.constant 1 : i32
    %while3A_9 = arith.divsi %while3A_6, %while3A_8 : i32
    %while3A_10 = arith.muli %while3A_9, %while3A_8 : i32
    %while3A_11 = arith.addi %while3A_5, %while3A_10 : i32
    %while3A_12 = arith.constant 1 : i32
    scf.for %while3A_19 = %while3A_5 to %while3A_11 step %while3A_12  : i32 {
      %dma_start3A = arith.constant 0 : i32
      %dma_start3A_20 = tpu.memref_slice %arg7[%while3A_19, %dma_start3A] : memref<96x128xi32, #tpu.memory_space<vmem>> -> memref<1x128xi32, #tpu.memory_space<vmem>>
      %dma_start3A_21 = tpu.memref_squeeze %dma_start3A_20 : memref<1x128xi32, #tpu.memory_space<vmem>> -> memref<128xi32, #tpu.memory_space<vmem>>
      %dma_start3A_22 = arith.constant 0 : i32
      %dma_start3A_23 = arith.constant 0 : i32
      %dma_start3A_24 = tpu.memref_slice %arg2[%dma_start3A_22, %dma_start3A_23] : memref<10000x128xf32, #tpu.memory_space<hbm>> -> memref<10000x128xf32, #tpu.memory_space<hbm>>
      tpu.enqueue_indirect_dma source(%dma_start3A_24 : memref<10000x128xf32, #tpu.memory_space<hbm>>) target(%arg9 : memref<128x128xf32, #tpu.memory_space<vmem>>) offsets(%dma_start3A_21 : memref<128xi32, #tpu.memory_space<vmem>>) semaphore(%arg11 : memref<!tpu.dma_semaphore, #tpu.memory_space<semaphore_mem>>)
      %dma_wait3A = arith.constant 0 : i32
      %dma_wait3A_25 = tpu.memref_slice %arg7[%while3A_19, %dma_wait3A] : memref<96x128xi32, #tpu.memory_space<vmem>> -> memref<1x128xi32, #tpu.memory_space<vmem>>
      %dma_wait3A_26 = tpu.memref_squeeze %dma_wait3A_25 : memref<1x128xi32, #tpu.memory_space<vmem>> -> memref<128xi32, #tpu.memory_space<vmem>>
      %dma_wait3A_27 = arith.constant 0 : i32
      %dma_wait3A_28 = arith.constant 0 : i32
      %dma_wait3A_29 = tpu.memref_slice %arg2[%dma_wait3A_27, %dma_wait3A_28] : memref<10000x128xf32, #tpu.memory_space<hbm>> -> memref<10000x128xf32, #tpu.memory_space<hbm>>
      tpu.wait_indirect_dma semaphore(%arg11 : memref<!tpu.dma_semaphore, #tpu.memory_space<semaphore_mem>>) src(%dma_wait3A_29 : memref<10000x128xf32, #tpu.memory_space<hbm>>) dst(%arg9 : memref<128x128xf32, #tpu.memory_space<vmem>>)
      "tpu.region"() ({
        %run_scoped3A = tpu.sem_alloc : memref<!tpu.dma_semaphore, #tpu.memory_space<semaphore_mem>>
        %dma_start3A_30 = arith.constant 0 : i32
        %dma_start3A_31 = tpu.memref_slice %arg8[%while3A_19, %dma_start3A_30] : memref<96x128xi32, #tpu.memory_space<vmem>> -> memref<1x128xi32, #tpu.memory_space<vmem>>
        %dma_start3A_32 = tpu.memref_squeeze %dma_start3A_31 : memref<1x128xi32, #tpu.memory_space<vmem>> -> memref<128xi32, #tpu.memory_space<vmem>>
        %dma_start3A_33 = arith.constant 0 : i32
        %dma_start3A_34 = arith.constant 0 : i32
        %dma_start3A_35 = tpu.memref_slice %arg10[%dma_start3A_33, %dma_start3A_34] : memref<10240x128xf32, #tpu.memory_space<vmem_shared>> -> memref<10240x128xf32, #tpu.memory_space<vmem_shared>>
        tpu.enqueue_indirect_dma source(%arg9 : memref<128x128xf32, #tpu.memory_space<vmem>>) target(%dma_start3A_35 : memref<10240x128xf32, #tpu.memory_space<vmem_shared>>) offsets(%dma_start3A_32 : memref<128xi32, #tpu.memory_space<vmem>>) semaphore(%run_scoped3A : memref<!tpu.dma_semaphore, #tpu.memory_space<semaphore_mem>>) {add = true}
        %dma_wait3A_36 = arith.constant 0 : i32
        %dma_wait3A_37 = tpu.memref_slice %arg8[%while3A_19, %dma_wait3A_36] : memref<96x128xi32, #tpu.memory_space<vmem>> -> memref<1x128xi32, #tpu.memory_space<vmem>>
        %dma_wait3A_38 = tpu.memref_squeeze %dma_wait3A_37 : memref<1x128xi32, #tpu.memory_space<vmem>> -> memref<128xi32, #tpu.memory_space<vmem>>
        %dma_wait3A_39 = arith.constant 0 : i32
        %dma_wait3A_40 = arith.constant 0 : i32
        %dma_wait3A_41 = tpu.memref_slice %arg10[%dma_wait3A_39, %dma_wait3A_40] : memref<10240x128xf32, #tpu.memory_space<vmem_shared>> -> memref<10240x128xf32, #tpu.memory_space<vmem_shared>>
        tpu.wait_indirect_dma semaphore(%run_scoped3A : memref<!tpu.dma_semaphore, #tpu.memory_space<semaphore_mem>>) src(%arg9 : memref<128x128xf32, #tpu.memory_space<vmem>>) dst(%dma_wait3A_41 : memref<10240x128xf32, #tpu.memory_space<vmem_shared>>)
        tpu.yield
      }) : () -> ()
    }
    %while3A_13 = arith.constant 1 : i32
    scf.for %while3A_19 = %while3A_11 to %while3A_7 step %while3A_13  : i32 {
      %dma_start3A = arith.constant 0 : i32
      %dma_start3A_20 = tpu.memref_slice %arg7[%while3A_19, %dma_start3A] : memref<96x128xi32, #tpu.memory_space<vmem>> -> memref<1x128xi32, #tpu.memory_space<vmem>>
      %dma_start3A_21 = tpu.memref_squeeze %dma_start3A_20 : memref<1x128xi32, #tpu.memory_space<vmem>> -> memref<128xi32, #tpu.memory_space<vmem>>
      %dma_start3A_22 = arith.constant 0 : i32
      %dma_start3A_23 = arith.constant 0 : i32
      %dma_start3A_24 = tpu.memref_slice %arg2[%dma_start3A_22, %dma_start3A_23] : memref<10000x128xf32, #tpu.memory_space<hbm>> -> memref<10000x128xf32, #tpu.memory_space<hbm>>
      tpu.enqueue_indirect_dma source(%dma_start3A_24 : memref<10000x128xf32, #tpu.memory_space<hbm>>) target(%arg9 : memref<128x128xf32, #tpu.memory_space<vmem>>) offsets(%dma_start3A_21 : memref<128xi32, #tpu.memory_space<vmem>>) semaphore(%arg11 : memref<!tpu.dma_semaphore, #tpu.memory_space<semaphore_mem>>)
      %dma_wait3A = arith.constant 0 : i32
      %dma_wait3A_25 = tpu.memref_slice %arg7[%while3A_19, %dma_wait3A] : memref<96x128xi32, #tpu.memory_space<vmem>> -> memref<1x128xi32, #tpu.memory_space<vmem>>
      %dma_wait3A_26 = tpu.memref_squeeze %dma_wait3A_25 : memref<1x128xi32, #tpu.memory_space<vmem>> -> memref<128xi32, #tpu.memory_space<vmem>>
      %dma_wait3A_27 = arith.constant 0 : i32
      %dma_wait3A_28 = arith.constant 0 : i32
      %dma_wait3A_29 = tpu.memref_slice %arg2[%dma_wait3A_27, %dma_wait3A_28] : memref<10000x128xf32, #tpu.memory_space<hbm>> -> memref<10000x128xf32, #tpu.memory_space<hbm>>
      tpu.wait_indirect_dma semaphore(%arg11 : memref<!tpu.dma_semaphore, #tpu.memory_space<semaphore_mem>>) src(%dma_wait3A_29 : memref<10000x128xf32, #tpu.memory_space<hbm>>) dst(%arg9 : memref<128x128xf32, #tpu.memory_space<vmem>>)
      "tpu.region"() ({
        %run_scoped3A = tpu.sem_alloc : memref<!tpu.dma_semaphore, #tpu.memory_space<semaphore_mem>>
        %dma_start3A_30 = arith.constant 0 : i32
        %dma_start3A_31 = tpu.memref_slice %arg8[%while3A_19, %dma_start3A_30] : memref<96x128xi32, #tpu.memory_space<vmem>> -> memref<1x128xi32, #tpu.memory_space<vmem>>
        %dma_start3A_32 = tpu.memref_squeeze %dma_start3A_31 : memref<1x128xi32, #tpu.memory_space<vmem>> -> memref<128xi32, #tpu.memory_space<vmem>>
        %dma_start3A_33 = arith.constant 0 : i32
        %dma_start3A_34 = arith.constant 0 : i32
        %dma_start3A_35 = tpu.memref_slice %arg10[%dma_start3A_33, %dma_start3A_34] : memref<10240x128xf32, #tpu.memory_space<vmem_shared>> -> memref<10240x128xf32, #tpu.memory_space<vmem_shared>>
        tpu.enqueue_indirect_dma source(%arg9 : memref<128x128xf32, #tpu.memory_space<vmem>>) target(%dma_start3A_35 : memref<10240x128xf32, #tpu.memory_space<vmem_shared>>) offsets(%dma_start3A_32 : memref<128xi32, #tpu.memory_space<vmem>>) semaphore(%run_scoped3A : memref<!tpu.dma_semaphore, #tpu.memory_space<semaphore_mem>>) {add = true}
        %dma_wait3A_36 = arith.constant 0 : i32
        %dma_wait3A_37 = tpu.memref_slice %arg8[%while3A_19, %dma_wait3A_36] : memref<96x128xi32, #tpu.memory_space<vmem>> -> memref<1x128xi32, #tpu.memory_space<vmem>>
        %dma_wait3A_38 = tpu.memref_squeeze %dma_wait3A_37 : memref<1x128xi32, #tpu.memory_space<vmem>> -> memref<128xi32, #tpu.memory_space<vmem>>
        %dma_wait3A_39 = arith.constant 0 : i32
        %dma_wait3A_40 = arith.constant 0 : i32
        %dma_wait3A_41 = tpu.memref_slice %arg10[%dma_wait3A_39, %dma_wait3A_40] : memref<10240x128xf32, #tpu.memory_space<vmem_shared>> -> memref<10240x128xf32, #tpu.memory_space<vmem_shared>>
        tpu.wait_indirect_dma semaphore(%run_scoped3A : memref<!tpu.dma_semaphore, #tpu.memory_space<semaphore_mem>>) src(%arg9 : memref<128x128xf32, #tpu.memory_space<vmem>>) dst(%dma_wait3A_41 : memref<10240x128xf32, #tpu.memory_space<vmem_shared>>)
        tpu.yield
      }) : () -> ()
    }
    %barrier3A_14 = arith.constant 0 : index
    tpu.barrier barrier_id(%barrier3A_14)
    %mul3A_15 = arith.constant 640 : i32
    %mul3A_16 = arith.muli %arg1, %mul3A_15 : i32
    %mul3A_17 = arith.constant 640 : i32
    %mul3A_18 = arith.muli %arg1, %mul3A_17 : i32
    "tpu.region"() ({
      %run_scoped3A = tpu.sem_alloc : memref<!tpu.dma_semaphore, #tpu.memory_space<semaphore_mem>>
      %dma_start3A = arith.constant 0 : i32
      %dma_start3A_19 = tpu.memref_slice %arg6[%arg0, %mul3A_18, %dma_start3A] : memref<2x10240x128xf32, #tpu.memory_space<hbm>> -> memref<1x640x128xf32, #tpu.memory_space<hbm>>
      %dma_start3A_20 = tpu.memref_squeeze %dma_start3A_19 : memref<1x640x128xf32, #tpu.memory_space<hbm>> -> memref<640x128xf32, #tpu.memory_space<hbm>>
      %dma_start3A_21 = arith.constant 0 : i32
      %dma_start3A_22 = tpu.memref_slice %arg10[%mul3A_16, %dma_start3A_21] : memref<10240x128xf32, #tpu.memory_space<vmem_shared>> -> memref<640x128xf32, #tpu.memory_space<vmem_shared>>
      tpu.enqueue_dma source(%dma_start3A_22 : memref<640x128xf32, #tpu.memory_space<vmem_shared>>) target(%dma_start3A_20 : memref<640x128xf32, #tpu.memory_space<hbm>>) target_semaphore(%run_scoped3A : memref<!tpu.dma_semaphore, #tpu.memory_space<semaphore_mem>>)
      %dma_wait3A = arith.constant 0 : i32
      %dma_wait3A_23 = tpu.memref_slice %arg6[%arg0, %mul3A_18, %dma_wait3A] : memref<2x10240x128xf32, #tpu.memory_space<hbm>> -> memref<1x640x128xf32, #tpu.memory_space<hbm>>
      %dma_wait3A_24 = tpu.memref_squeeze %dma_wait3A_23 : memref<1x640x128xf32, #tpu.memory_space<hbm>> -> memref<640x128xf32, #tpu.memory_space<hbm>>
      %dma_wait3A_25 = arith.constant 0 : i32
      %dma_wait3A_26 = tpu.memref_slice %arg10[%mul3A_16, %dma_wait3A_25] : memref<10240x128xf32, #tpu.memory_space<vmem_shared>> -> memref<640x128xf32, #tpu.memory_space<vmem_shared>>
      tpu.wait_dma2 semaphore(%run_scoped3A : memref<!tpu.dma_semaphore, #tpu.memory_space<semaphore_mem>>) src(%dma_wait3A_26 : memref<640x128xf32, #tpu.memory_space<vmem_shared>>) dst(%dma_wait3A_24 : memref<640x128xf32, #tpu.memory_space<hbm>>)
      tpu.yield
    }) : () -> ()
    return
  }
}

#map = affine_map<(d0, d1) -> (0, 0)>
#map1 = affine_map<(d0, d1) -> (0, 0, 0, 0)>
#map2 = affine_map<(d0, d1) -> (0, 0, 0)>
module attributes {stable_mosaic.version = 14 : i64} {
  func.func @_agg(%arg0: i32, %arg1: i32, %arg2: memref<10000x128xf32, #tpu.memory_space<hbm>>, %arg3: memref<2x16x96x128xi32, #tpu.memory_space<hbm>>, %arg4: memref<2x16x96x128xi32, #tpu.memory_space<hbm>>, %arg5: memref<10240x128xf32, #tpu.memory_space<hbm>>, %arg6: memref<2x10240x128xf32, #tpu.memory_space<hbm>>, %arg7: memref<96x128xi32, #tpu.memory_space<vmem>>, %arg8: memref<96x128xi32, #tpu.memory_space<vmem>>, %arg9: memref<128x128xf32, #tpu.memory_space<vmem>>, %arg10: memref<10240x128xf32, #tpu.memory_space<vmem_shared>>, %arg11: memref<!tpu.dma_semaphore, #tpu.memory_space<semaphore_mem>>) attributes {dimension_semantics = [#tpu.dimension_semantics<core_parallel>, #tpu.dimension_semantics<subcore_parallel>], iteration_bounds = array<i64: 2, 16>, scalar_prefetch = 0 : i64, scratch_operands = 5 : i64, tpu.core_type = #tpu.core_type<sc_vector_subcore>, window_params = [{transform_indices = #map}, {transform_indices = #map1}, {transform_indices = #map1}, {transform_indices = #map}, {transform_indices = #map2}]} {
    %eq3A = arith.constant 1 : i32
    %eq3A_0 = arith.cmpi eq, %arg0, %eq3A : i32
    %jit3A = arith.constant 95 : i32
    %jit3A_1 = arith.constant 67 : i32
    %select_n3A = arith.select %eq3A_0, %jit3A, %jit3A_1 : i32
    %mul3A = arith.constant 640 : i32
    %mul3A_2 = arith.muli %arg1, %mul3A : i32
    %mul3A_3 = arith.constant 640 : i32
    %mul3A_4 = arith.muli %arg1, %mul3A_3 : i32
    "tpu.region"() ({
      %run_scoped3A = tpu.sem_alloc : memref<!tpu.dma_semaphore, #tpu.memory_space<semaphore_mem>>
      %dma_start3A = arith.constant 0 : i32
      %dma_start3A_19 = tpu.memref_slice %arg10[%mul3A_4, %dma_start3A] : memref<10240x128xf32, #tpu.memory_space<vmem_shared>> -> memref<640x128xf32, #tpu.memory_space<vmem_shared>>
      %dma_start3A_20 = arith.constant 0 : i32
      %dma_start3A_21 = tpu.memref_slice %arg5[%mul3A_2, %dma_start3A_20] : memref<10240x128xf32, #tpu.memory_space<hbm>> -> memref<640x128xf32, #tpu.memory_space<hbm>>
      tpu.enqueue_dma source(%dma_start3A_21 : memref<640x128xf32, #tpu.memory_space<hbm>>) target(%dma_start3A_19 : memref<640x128xf32, #tpu.memory_space<vmem_shared>>) target_semaphore(%run_scoped3A : memref<!tpu.dma_semaphore, #tpu.memory_space<semaphore_mem>>)
      %dma_wait3A = arith.constant 0 : i32
      %dma_wait3A_22 = tpu.memref_slice %arg10[%mul3A_4, %dma_wait3A] : memref<10240x128xf32, #tpu.memory_space<vmem_shared>> -> memref<640x128xf32, #tpu.memory_space<vmem_shared>>
      %dma_wait3A_23 = arith.constant 0 : i32
      %dma_wait3A_24 = tpu.memref_slice %arg5[%mul3A_2, %dma_wait3A_23] : memref<10240x128xf32, #tpu.memory_space<hbm>> -> memref<640x128xf32, #tpu.memory_space<hbm>>
      tpu.wait_dma2 semaphore(%run_scoped3A : memref<!tpu.dma_semaphore, #tpu.memory_space<semaphore_mem>>) src(%dma_wait3A_24 : memref<640x128xf32, #tpu.memory_space<hbm>>) dst(%dma_wait3A_22 : memref<640x128xf32, #tpu.memory_space<vmem_shared>>)
      tpu.yield
    }) : () -> ()
    "tpu.region"() ({
      %run_scoped3A = tpu.sem_alloc : memref<!tpu.dma_semaphore, #tpu.memory_space<semaphore_mem>>
      %dma_start3A = arith.constant 0 : i32
      %dma_start3A_19 = arith.constant 0 : i32
      %dma_start3A_20 = tpu.memref_slice %arg3[%arg0, %arg1, %dma_start3A, %dma_start3A_19] : memref<2x16x96x128xi32, #tpu.memory_space<hbm>> -> memref<1x1x96x128xi32, #tpu.memory_space<hbm>>
      %dma_start3A_21 = tpu.memref_squeeze %dma_start3A_20 : memref<1x1x96x128xi32, #tpu.memory_space<hbm>> -> memref<96x128xi32, #tpu.memory_space<hbm>>
      %dma_start3A_22 = arith.constant 0 : i32
      %dma_start3A_23 = arith.constant 0 : i32
      %dma_start3A_24 = tpu.memref_slice %arg3[%arg0, %arg1, %dma_start3A_22, %dma_start3A_23] : memref<2x16x96x128xi32, #tpu.memory_space<hbm>> -> memref<1x1x96x128xi32, #tpu.memory_space<hbm>>
      %dma_start3A_25 = tpu.memref_squeeze %dma_start3A_24 : memref<1x1x96x128xi32, #tpu.memory_space<hbm>> -> memref<96x128xi32, #tpu.memory_space<hbm>>
      tpu.enqueue_dma source(%dma_start3A_25 : memref<96x128xi32, #tpu.memory_space<hbm>>) target(%arg7 : memref<96x128xi32, #tpu.memory_space<vmem>>) target_semaphore(%run_scoped3A : memref<!tpu.dma_semaphore, #tpu.memory_space<semaphore_mem>>)
      %dma_wait3A = arith.constant 0 : i32
      %dma_wait3A_26 = arith.constant 0 : i32
      %dma_wait3A_27 = tpu.memref_slice %arg3[%arg0, %arg1, %dma_wait3A, %dma_wait3A_26] : memref<2x16x96x128xi32, #tpu.memory_space<hbm>> -> memref<1x1x96x128xi32, #tpu.memory_space<hbm>>
      %dma_wait3A_28 = tpu.memref_squeeze %dma_wait3A_27 : memref<1x1x96x128xi32, #tpu.memory_space<hbm>> -> memref<96x128xi32, #tpu.memory_space<hbm>>
      %dma_wait3A_29 = arith.constant 0 : i32
      %dma_wait3A_30 = arith.constant 0 : i32
      %dma_wait3A_31 = tpu.memref_slice %arg3[%arg0, %arg1, %dma_wait3A_29, %dma_wait3A_30] : memref<2x16x96x128xi32, #tpu.memory_space<hbm>> -> memref<1x1x96x128xi32, #tpu.memory_space<hbm>>
      %dma_wait3A_32 = tpu.memref_squeeze %dma_wait3A_31 : memref<1x1x96x128xi32, #tpu.memory_space<hbm>> -> memref<96x128xi32, #tpu.memory_space<hbm>>
      tpu.wait_dma2 semaphore(%run_scoped3A : memref<!tpu.dma_semaphore, #tpu.memory_space<semaphore_mem>>) src(%dma_wait3A_32 : memref<96x128xi32, #tpu.memory_space<hbm>>) dst(%arg7 : memref<96x128xi32, #tpu.memory_space<vmem>>)
      tpu.yield
    }) : () -> ()
    "tpu.region"() ({
      %run_scoped3A = tpu.sem_alloc : memref<!tpu.dma_semaphore, #tpu.memory_space<semaphore_mem>>
      %dma_start3A = arith.constant 0 : i32
      %dma_start3A_19 = arith.constant 0 : i32
      %dma_start3A_20 = tpu.memref_slice %arg4[%arg0, %arg1, %dma_start3A, %dma_start3A_19] : memref<2x16x96x128xi32, #tpu.memory_space<hbm>> -> memref<1x1x96x128xi32, #tpu.memory_space<hbm>>
      %dma_start3A_21 = tpu.memref_squeeze %dma_start3A_20 : memref<1x1x96x128xi32, #tpu.memory_space<hbm>> -> memref<96x128xi32, #tpu.memory_space<hbm>>
      %dma_start3A_22 = arith.constant 0 : i32
      %dma_start3A_23 = arith.constant 0 : i32
      %dma_start3A_24 = tpu.memref_slice %arg4[%arg0, %arg1, %dma_start3A_22, %dma_start3A_23] : memref<2x16x96x128xi32, #tpu.memory_space<hbm>> -> memref<1x1x96x128xi32, #tpu.memory_space<hbm>>
      %dma_start3A_25 = tpu.memref_squeeze %dma_start3A_24 : memref<1x1x96x128xi32, #tpu.memory_space<hbm>> -> memref<96x128xi32, #tpu.memory_space<hbm>>
      tpu.enqueue_dma source(%dma_start3A_25 : memref<96x128xi32, #tpu.memory_space<hbm>>) target(%arg8 : memref<96x128xi32, #tpu.memory_space<vmem>>) target_semaphore(%run_scoped3A : memref<!tpu.dma_semaphore, #tpu.memory_space<semaphore_mem>>)
      %dma_wait3A = arith.constant 0 : i32
      %dma_wait3A_26 = arith.constant 0 : i32
      %dma_wait3A_27 = tpu.memref_slice %arg4[%arg0, %arg1, %dma_wait3A, %dma_wait3A_26] : memref<2x16x96x128xi32, #tpu.memory_space<hbm>> -> memref<1x1x96x128xi32, #tpu.memory_space<hbm>>
      %dma_wait3A_28 = tpu.memref_squeeze %dma_wait3A_27 : memref<1x1x96x128xi32, #tpu.memory_space<hbm>> -> memref<96x128xi32, #tpu.memory_space<hbm>>
      %dma_wait3A_29 = arith.constant 0 : i32
      %dma_wait3A_30 = arith.constant 0 : i32
      %dma_wait3A_31 = tpu.memref_slice %arg4[%arg0, %arg1, %dma_wait3A_29, %dma_wait3A_30] : memref<2x16x96x128xi32, #tpu.memory_space<hbm>> -> memref<1x1x96x128xi32, #tpu.memory_space<hbm>>
      %dma_wait3A_32 = tpu.memref_squeeze %dma_wait3A_31 : memref<1x1x96x128xi32, #tpu.memory_space<hbm>> -> memref<96x128xi32, #tpu.memory_space<hbm>>
      tpu.wait_dma2 semaphore(%run_scoped3A : memref<!tpu.dma_semaphore, #tpu.memory_space<semaphore_mem>>) src(%dma_wait3A_32 : memref<96x128xi32, #tpu.memory_space<hbm>>) dst(%arg8 : memref<96x128xi32, #tpu.memory_space<vmem>>)
      tpu.yield
    }) : () -> ()
    %barrier3A = arith.constant 0 : index
    tpu.barrier barrier_id(%barrier3A)
    %while3A = arith.constant 0 : i32
    %while3A_5 = arith.constant 0 : i32
    %while3A_6 = arith.subi %select_n3A, %while3A_5 : i32
    %while3A_7 = arith.addi %while3A_5, %while3A_6 : i32
    %while3A_8 = arith.constant 1 : i32
    %while3A_9 = arith.divsi %while3A_6, %while3A_8 : i32
    %while3A_10 = arith.muli %while3A_9, %while3A_8 : i32
    %while3A_11 = arith.addi %while3A_5, %while3A_10 : i32
    %while3A_12 = arith.constant 1 : i32
    scf.for %while3A_19 = %while3A_5 to %while3A_11 step %while3A_12  : i32 {
      %dma_start3A = arith.constant 0 : i32
      %dma_start3A_20 = tpu.memref_slice %arg7[%while3A_19, %dma_start3A] : memref<96x128xi32, #tpu.memory_space<vmem>> -> memref<1x128xi32, #tpu.memory_space<vmem>>
      %dma_start3A_21 = tpu.memref_squeeze %dma_start3A_20 : memref<1x128xi32, #tpu.memory_space<vmem>> -> memref<128xi32, #tpu.memory_space<vmem>>
      %dma_start3A_22 = arith.constant 0 : i32
      %dma_start3A_23 = arith.constant 0 : i32
      %dma_start3A_24 = tpu.memref_slice %arg2[%dma_start3A_22, %dma_start3A_23] : memref<10000x128xf32, #tpu.memory_space<hbm>> -> memref<10000x128xf32, #tpu.memory_space<hbm>>
      tpu.enqueue_indirect_dma source(%dma_start3A_24 : memref<10000x128xf32, #tpu.memory_space<hbm>>) target(%arg9 : memref<128x128xf32, #tpu.memory_space<vmem>>) offsets(%dma_start3A_21 : memref<128xi32, #tpu.memory_space<vmem>>) semaphore(%arg11 : memref<!tpu.dma_semaphore, #tpu.memory_space<semaphore_mem>>)
      %dma_wait3A = arith.constant 0 : i32
      %dma_wait3A_25 = tpu.memref_slice %arg7[%while3A_19, %dma_wait3A] : memref<96x128xi32, #tpu.memory_space<vmem>> -> memref<1x128xi32, #tpu.memory_space<vmem>>
      %dma_wait3A_26 = tpu.memref_squeeze %dma_wait3A_25 : memref<1x128xi32, #tpu.memory_space<vmem>> -> memref<128xi32, #tpu.memory_space<vmem>>
      %dma_wait3A_27 = arith.constant 0 : i32
      %dma_wait3A_28 = arith.constant 0 : i32
      %dma_wait3A_29 = tpu.memref_slice %arg2[%dma_wait3A_27, %dma_wait3A_28] : memref<10000x128xf32, #tpu.memory_space<hbm>> -> memref<10000x128xf32, #tpu.memory_space<hbm>>
      tpu.wait_indirect_dma semaphore(%arg11 : memref<!tpu.dma_semaphore, #tpu.memory_space<semaphore_mem>>) src(%dma_wait3A_29 : memref<10000x128xf32, #tpu.memory_space<hbm>>) dst(%arg9 : memref<128x128xf32, #tpu.memory_space<vmem>>)
      "tpu.region"() ({
        %run_scoped3A = tpu.sem_alloc : memref<!tpu.dma_semaphore, #tpu.memory_space<semaphore_mem>>
        %dma_start3A_30 = arith.constant 0 : i32
        %dma_start3A_31 = tpu.memref_slice %arg8[%while3A_19, %dma_start3A_30] : memref<96x128xi32, #tpu.memory_space<vmem>> -> memref<1x128xi32, #tpu.memory_space<vmem>>
        %dma_start3A_32 = tpu.memref_squeeze %dma_start3A_31 : memref<1x128xi32, #tpu.memory_space<vmem>> -> memref<128xi32, #tpu.memory_space<vmem>>
        %dma_start3A_33 = arith.constant 0 : i32
        %dma_start3A_34 = arith.constant 0 : i32
        %dma_start3A_35 = tpu.memref_slice %arg10[%dma_start3A_33, %dma_start3A_34] : memref<10240x128xf32, #tpu.memory_space<vmem_shared>> -> memref<10240x128xf32, #tpu.memory_space<vmem_shared>>
        tpu.enqueue_indirect_dma source(%arg9 : memref<128x128xf32, #tpu.memory_space<vmem>>) target(%dma_start3A_35 : memref<10240x128xf32, #tpu.memory_space<vmem_shared>>) offsets(%dma_start3A_32 : memref<128xi32, #tpu.memory_space<vmem>>) semaphore(%run_scoped3A : memref<!tpu.dma_semaphore, #tpu.memory_space<semaphore_mem>>) {add = true}
        %dma_wait3A_36 = arith.constant 0 : i32
        %dma_wait3A_37 = tpu.memref_slice %arg8[%while3A_19, %dma_wait3A_36] : memref<96x128xi32, #tpu.memory_space<vmem>> -> memref<1x128xi32, #tpu.memory_space<vmem>>
        %dma_wait3A_38 = tpu.memref_squeeze %dma_wait3A_37 : memref<1x128xi32, #tpu.memory_space<vmem>> -> memref<128xi32, #tpu.memory_space<vmem>>
        %dma_wait3A_39 = arith.constant 0 : i32
        %dma_wait3A_40 = arith.constant 0 : i32
        %dma_wait3A_41 = tpu.memref_slice %arg10[%dma_wait3A_39, %dma_wait3A_40] : memref<10240x128xf32, #tpu.memory_space<vmem_shared>> -> memref<10240x128xf32, #tpu.memory_space<vmem_shared>>
        tpu.wait_indirect_dma semaphore(%run_scoped3A : memref<!tpu.dma_semaphore, #tpu.memory_space<semaphore_mem>>) src(%arg9 : memref<128x128xf32, #tpu.memory_space<vmem>>) dst(%dma_wait3A_41 : memref<10240x128xf32, #tpu.memory_space<vmem_shared>>)
        tpu.yield
      }) : () -> ()
    }
    %while3A_13 = arith.constant 1 : i32
    scf.for %while3A_19 = %while3A_11 to %while3A_7 step %while3A_13  : i32 {
      %dma_start3A = arith.constant 0 : i32
      %dma_start3A_20 = tpu.memref_slice %arg7[%while3A_19, %dma_start3A] : memref<96x128xi32, #tpu.memory_space<vmem>> -> memref<1x128xi32, #tpu.memory_space<vmem>>
      %dma_start3A_21 = tpu.memref_squeeze %dma_start3A_20 : memref<1x128xi32, #tpu.memory_space<vmem>> -> memref<128xi32, #tpu.memory_space<vmem>>
      %dma_start3A_22 = arith.constant 0 : i32
      %dma_start3A_23 = arith.constant 0 : i32
      %dma_start3A_24 = tpu.memref_slice %arg2[%dma_start3A_22, %dma_start3A_23] : memref<10000x128xf32, #tpu.memory_space<hbm>> -> memref<10000x128xf32, #tpu.memory_space<hbm>>
      tpu.enqueue_indirect_dma source(%dma_start3A_24 : memref<10000x128xf32, #tpu.memory_space<hbm>>) target(%arg9 : memref<128x128xf32, #tpu.memory_space<vmem>>) offsets(%dma_start3A_21 : memref<128xi32, #tpu.memory_space<vmem>>) semaphore(%arg11 : memref<!tpu.dma_semaphore, #tpu.memory_space<semaphore_mem>>)
      %dma_wait3A = arith.constant 0 : i32
      %dma_wait3A_25 = tpu.memref_slice %arg7[%while3A_19, %dma_wait3A] : memref<96x128xi32, #tpu.memory_space<vmem>> -> memref<1x128xi32, #tpu.memory_space<vmem>>
      %dma_wait3A_26 = tpu.memref_squeeze %dma_wait3A_25 : memref<1x128xi32, #tpu.memory_space<vmem>> -> memref<128xi32, #tpu.memory_space<vmem>>
      %dma_wait3A_27 = arith.constant 0 : i32
      %dma_wait3A_28 = arith.constant 0 : i32
      %dma_wait3A_29 = tpu.memref_slice %arg2[%dma_wait3A_27, %dma_wait3A_28] : memref<10000x128xf32, #tpu.memory_space<hbm>> -> memref<10000x128xf32, #tpu.memory_space<hbm>>
      tpu.wait_indirect_dma semaphore(%arg11 : memref<!tpu.dma_semaphore, #tpu.memory_space<semaphore_mem>>) src(%dma_wait3A_29 : memref<10000x128xf32, #tpu.memory_space<hbm>>) dst(%arg9 : memref<128x128xf32, #tpu.memory_space<vmem>>)
      "tpu.region"() ({
        %run_scoped3A = tpu.sem_alloc : memref<!tpu.dma_semaphore, #tpu.memory_space<semaphore_mem>>
        %dma_start3A_30 = arith.constant 0 : i32
        %dma_start3A_31 = tpu.memref_slice %arg8[%while3A_19, %dma_start3A_30] : memref<96x128xi32, #tpu.memory_space<vmem>> -> memref<1x128xi32, #tpu.memory_space<vmem>>
        %dma_start3A_32 = tpu.memref_squeeze %dma_start3A_31 : memref<1x128xi32, #tpu.memory_space<vmem>> -> memref<128xi32, #tpu.memory_space<vmem>>
        %dma_start3A_33 = arith.constant 0 : i32
        %dma_start3A_34 = arith.constant 0 : i32
        %dma_start3A_35 = tpu.memref_slice %arg10[%dma_start3A_33, %dma_start3A_34] : memref<10240x128xf32, #tpu.memory_space<vmem_shared>> -> memref<10240x128xf32, #tpu.memory_space<vmem_shared>>
        tpu.enqueue_indirect_dma source(%arg9 : memref<128x128xf32, #tpu.memory_space<vmem>>) target(%dma_start3A_35 : memref<10240x128xf32, #tpu.memory_space<vmem_shared>>) offsets(%dma_start3A_32 : memref<128xi32, #tpu.memory_space<vmem>>) semaphore(%run_scoped3A : memref<!tpu.dma_semaphore, #tpu.memory_space<semaphore_mem>>) {add = true}
        %dma_wait3A_36 = arith.constant 0 : i32
        %dma_wait3A_37 = tpu.memref_slice %arg8[%while3A_19, %dma_wait3A_36] : memref<96x128xi32, #tpu.memory_space<vmem>> -> memref<1x128xi32, #tpu.memory_space<vmem>>
        %dma_wait3A_38 = tpu.memref_squeeze %dma_wait3A_37 : memref<1x128xi32, #tpu.memory_space<vmem>> -> memref<128xi32, #tpu.memory_space<vmem>>
        %dma_wait3A_39 = arith.constant 0 : i32
        %dma_wait3A_40 = arith.constant 0 : i32
        %dma_wait3A_41 = tpu.memref_slice %arg10[%dma_wait3A_39, %dma_wait3A_40] : memref<10240x128xf32, #tpu.memory_space<vmem_shared>> -> memref<10240x128xf32, #tpu.memory_space<vmem_shared>>
        tpu.wait_indirect_dma semaphore(%run_scoped3A : memref<!tpu.dma_semaphore, #tpu.memory_space<semaphore_mem>>) src(%arg9 : memref<128x128xf32, #tpu.memory_space<vmem>>) dst(%dma_wait3A_41 : memref<10240x128xf32, #tpu.memory_space<vmem_shared>>)
        tpu.yield
      }) : () -> ()
    }
    %barrier3A_14 = arith.constant 0 : index
    tpu.barrier barrier_id(%barrier3A_14)
    %mul3A_15 = arith.constant 640 : i32
    %mul3A_16 = arith.muli %arg1, %mul3A_15 : i32
    %mul3A_17 = arith.constant 640 : i32
    %mul3A_18 = arith.muli %arg1, %mul3A_17 : i32
    "tpu.region"() ({
      %run_scoped3A = tpu.sem_alloc : memref<!tpu.dma_semaphore, #tpu.memory_space<semaphore_mem>>
      %dma_start3A = arith.constant 0 : i32
      %dma_start3A_19 = tpu.memref_slice %arg6[%arg0, %mul3A_18, %dma_start3A] : memref<2x10240x128xf32, #tpu.memory_space<hbm>> -> memref<1x640x128xf32, #tpu.memory_space<hbm>>
      %dma_start3A_20 = tpu.memref_squeeze %dma_start3A_19 : memref<1x640x128xf32, #tpu.memory_space<hbm>> -> memref<640x128xf32, #tpu.memory_space<hbm>>
      %dma_start3A_21 = arith.constant 0 : i32
      %dma_start3A_22 = tpu.memref_slice %arg10[%mul3A_16, %dma_start3A_21] : memref<10240x128xf32, #tpu.memory_space<vmem_shared>> -> memref<640x128xf32, #tpu.memory_space<vmem_shared>>
      tpu.enqueue_dma source(%dma_start3A_22 : memref<640x128xf32, #tpu.memory_space<vmem_shared>>) target(%dma_start3A_20 : memref<640x128xf32, #tpu.memory_space<hbm>>) target_semaphore(%run_scoped3A : memref<!tpu.dma_semaphore, #tpu.memory_space<semaphore_mem>>)
      %dma_wait3A = arith.constant 0 : i32
      %dma_wait3A_23 = tpu.memref_slice %arg6[%arg0, %mul3A_18, %dma_wait3A] : memref<2x10240x128xf32, #tpu.memory_space<hbm>> -> memref<1x640x128xf32, #tpu.memory_space<hbm>>
      %dma_wait3A_24 = tpu.memref_squeeze %dma_wait3A_23 : memref<1x640x128xf32, #tpu.memory_space<hbm>> -> memref<640x128xf32, #tpu.memory_space<hbm>>
      %dma_wait3A_25 = arith.constant 0 : i32
      %dma_wait3A_26 = tpu.memref_slice %arg10[%mul3A_16, %dma_wait3A_25] : memref<10240x128xf32, #tpu.memory_space<vmem_shared>> -> memref<640x128xf32, #tpu.memory_space<vmem_shared>>
      tpu.wait_dma2 semaphore(%run_scoped3A : memref<!tpu.dma_semaphore, #tpu.memory_space<semaphore_mem>>) src(%dma_wait3A_26 : memref<640x128xf32, #tpu.memory_space<vmem_shared>>) dst(%dma_wait3A_24 : memref<640x128xf32, #tpu.memory_space<hbm>>)
      tpu.yield
    }) : () -> ()
    return
  }
}

#map = affine_map<(d0, d1) -> (0, 0)>
#map1 = affine_map<(d0, d1) -> (0, 0, 0, 0)>
#map2 = affine_map<(d0, d1) -> (0, 0, 0)>
module attributes {stable_mosaic.version = 14 : i64} {
  func.func @_agg(%arg0: i32, %arg1: i32, %arg2: memref<10000x128xf32, #tpu.memory_space<hbm>>, %arg3: memref<2x16x96x128xi32, #tpu.memory_space<hbm>>, %arg4: memref<2x16x96x128xi32, #tpu.memory_space<hbm>>, %arg5: memref<10240x128xf32, #tpu.memory_space<hbm>>, %arg6: memref<2x10240x128xf32, #tpu.memory_space<hbm>>, %arg7: memref<96x128xi32, #tpu.memory_space<vmem>>, %arg8: memref<96x128xi32, #tpu.memory_space<vmem>>, %arg9: memref<128x128xf32, #tpu.memory_space<vmem>>, %arg10: memref<10240x128xf32, #tpu.memory_space<vmem_shared>>, %arg11: memref<!tpu.dma_semaphore, #tpu.memory_space<semaphore_mem>>) attributes {dimension_semantics = [#tpu.dimension_semantics<core_parallel>, #tpu.dimension_semantics<subcore_parallel>], iteration_bounds = array<i64: 2, 16>, scalar_prefetch = 0 : i64, scratch_operands = 5 : i64, tpu.core_type = #tpu.core_type<sc_vector_subcore>, window_params = [{transform_indices = #map}, {transform_indices = #map1}, {transform_indices = #map1}, {transform_indices = #map}, {transform_indices = #map2}]} {
    %eq3A = arith.constant 1 : i32
    %eq3A_0 = arith.cmpi eq, %arg0, %eq3A : i32
    %jit3A = arith.constant 95 : i32
    %jit3A_1 = arith.constant 67 : i32
    %select_n3A = arith.select %eq3A_0, %jit3A, %jit3A_1 : i32
    %mul3A = arith.constant 640 : i32
    %mul3A_2 = arith.muli %arg1, %mul3A : i32
    %mul3A_3 = arith.constant 640 : i32
    %mul3A_4 = arith.muli %arg1, %mul3A_3 : i32
    "tpu.region"() ({
      %run_scoped3A = tpu.sem_alloc : memref<!tpu.dma_semaphore, #tpu.memory_space<semaphore_mem>>
      %dma_start3A = arith.constant 0 : i32
      %dma_start3A_19 = tpu.memref_slice %arg10[%mul3A_4, %dma_start3A] : memref<10240x128xf32, #tpu.memory_space<vmem_shared>> -> memref<640x128xf32, #tpu.memory_space<vmem_shared>>
      %dma_start3A_20 = arith.constant 0 : i32
      %dma_start3A_21 = tpu.memref_slice %arg5[%mul3A_2, %dma_start3A_20] : memref<10240x128xf32, #tpu.memory_space<hbm>> -> memref<640x128xf32, #tpu.memory_space<hbm>>
      tpu.enqueue_dma source(%dma_start3A_21 : memref<640x128xf32, #tpu.memory_space<hbm>>) target(%dma_start3A_19 : memref<640x128xf32, #tpu.memory_space<vmem_shared>>) target_semaphore(%run_scoped3A : memref<!tpu.dma_semaphore, #tpu.memory_space<semaphore_mem>>)
      %dma_wait3A = arith.constant 0 : i32
      %dma_wait3A_22 = tpu.memref_slice %arg10[%mul3A_4, %dma_wait3A] : memref<10240x128xf32, #tpu.memory_space<vmem_shared>> -> memref<640x128xf32, #tpu.memory_space<vmem_shared>>
      %dma_wait3A_23 = arith.constant 0 : i32
      %dma_wait3A_24 = tpu.memref_slice %arg5[%mul3A_2, %dma_wait3A_23] : memref<10240x128xf32, #tpu.memory_space<hbm>> -> memref<640x128xf32, #tpu.memory_space<hbm>>
      tpu.wait_dma2 semaphore(%run_scoped3A : memref<!tpu.dma_semaphore, #tpu.memory_space<semaphore_mem>>) src(%dma_wait3A_24 : memref<640x128xf32, #tpu.memory_space<hbm>>) dst(%dma_wait3A_22 : memref<640x128xf32, #tpu.memory_space<vmem_shared>>)
      tpu.yield
    }) : () -> ()
    "tpu.region"() ({
      %run_scoped3A = tpu.sem_alloc : memref<!tpu.dma_semaphore, #tpu.memory_space<semaphore_mem>>
      %dma_start3A = arith.constant 0 : i32
      %dma_start3A_19 = arith.constant 0 : i32
      %dma_start3A_20 = tpu.memref_slice %arg3[%arg0, %arg1, %dma_start3A, %dma_start3A_19] : memref<2x16x96x128xi32, #tpu.memory_space<hbm>> -> memref<1x1x96x128xi32, #tpu.memory_space<hbm>>
      %dma_start3A_21 = tpu.memref_squeeze %dma_start3A_20 : memref<1x1x96x128xi32, #tpu.memory_space<hbm>> -> memref<96x128xi32, #tpu.memory_space<hbm>>
      %dma_start3A_22 = arith.constant 0 : i32
      %dma_start3A_23 = arith.constant 0 : i32
      %dma_start3A_24 = tpu.memref_slice %arg3[%arg0, %arg1, %dma_start3A_22, %dma_start3A_23] : memref<2x16x96x128xi32, #tpu.memory_space<hbm>> -> memref<1x1x96x128xi32, #tpu.memory_space<hbm>>
      %dma_start3A_25 = tpu.memref_squeeze %dma_start3A_24 : memref<1x1x96x128xi32, #tpu.memory_space<hbm>> -> memref<96x128xi32, #tpu.memory_space<hbm>>
      tpu.enqueue_dma source(%dma_start3A_25 : memref<96x128xi32, #tpu.memory_space<hbm>>) target(%arg7 : memref<96x128xi32, #tpu.memory_space<vmem>>) target_semaphore(%run_scoped3A : memref<!tpu.dma_semaphore, #tpu.memory_space<semaphore_mem>>)
      %dma_wait3A = arith.constant 0 : i32
      %dma_wait3A_26 = arith.constant 0 : i32
      %dma_wait3A_27 = tpu.memref_slice %arg3[%arg0, %arg1, %dma_wait3A, %dma_wait3A_26] : memref<2x16x96x128xi32, #tpu.memory_space<hbm>> -> memref<1x1x96x128xi32, #tpu.memory_space<hbm>>
      %dma_wait3A_28 = tpu.memref_squeeze %dma_wait3A_27 : memref<1x1x96x128xi32, #tpu.memory_space<hbm>> -> memref<96x128xi32, #tpu.memory_space<hbm>>
      %dma_wait3A_29 = arith.constant 0 : i32
      %dma_wait3A_30 = arith.constant 0 : i32
      %dma_wait3A_31 = tpu.memref_slice %arg3[%arg0, %arg1, %dma_wait3A_29, %dma_wait3A_30] : memref<2x16x96x128xi32, #tpu.memory_space<hbm>> -> memref<1x1x96x128xi32, #tpu.memory_space<hbm>>
      %dma_wait3A_32 = tpu.memref_squeeze %dma_wait3A_31 : memref<1x1x96x128xi32, #tpu.memory_space<hbm>> -> memref<96x128xi32, #tpu.memory_space<hbm>>
      tpu.wait_dma2 semaphore(%run_scoped3A : memref<!tpu.dma_semaphore, #tpu.memory_space<semaphore_mem>>) src(%dma_wait3A_32 : memref<96x128xi32, #tpu.memory_space<hbm>>) dst(%arg7 : memref<96x128xi32, #tpu.memory_space<vmem>>)
      tpu.yield
    }) : () -> ()
    "tpu.region"() ({
      %run_scoped3A = tpu.sem_alloc : memref<!tpu.dma_semaphore, #tpu.memory_space<semaphore_mem>>
      %dma_start3A = arith.constant 0 : i32
      %dma_start3A_19 = arith.constant 0 : i32
      %dma_start3A_20 = tpu.memref_slice %arg4[%arg0, %arg1, %dma_start3A, %dma_start3A_19] : memref<2x16x96x128xi32, #tpu.memory_space<hbm>> -> memref<1x1x96x128xi32, #tpu.memory_space<hbm>>
      %dma_start3A_21 = tpu.memref_squeeze %dma_start3A_20 : memref<1x1x96x128xi32, #tpu.memory_space<hbm>> -> memref<96x128xi32, #tpu.memory_space<hbm>>
      %dma_start3A_22 = arith.constant 0 : i32
      %dma_start3A_23 = arith.constant 0 : i32
      %dma_start3A_24 = tpu.memref_slice %arg4[%arg0, %arg1, %dma_start3A_22, %dma_start3A_23] : memref<2x16x96x128xi32, #tpu.memory_space<hbm>> -> memref<1x1x96x128xi32, #tpu.memory_space<hbm>>
      %dma_start3A_25 = tpu.memref_squeeze %dma_start3A_24 : memref<1x1x96x128xi32, #tpu.memory_space<hbm>> -> memref<96x128xi32, #tpu.memory_space<hbm>>
      tpu.enqueue_dma source(%dma_start3A_25 : memref<96x128xi32, #tpu.memory_space<hbm>>) target(%arg8 : memref<96x128xi32, #tpu.memory_space<vmem>>) target_semaphore(%run_scoped3A : memref<!tpu.dma_semaphore, #tpu.memory_space<semaphore_mem>>)
      %dma_wait3A = arith.constant 0 : i32
      %dma_wait3A_26 = arith.constant 0 : i32
      %dma_wait3A_27 = tpu.memref_slice %arg4[%arg0, %arg1, %dma_wait3A, %dma_wait3A_26] : memref<2x16x96x128xi32, #tpu.memory_space<hbm>> -> memref<1x1x96x128xi32, #tpu.memory_space<hbm>>
      %dma_wait3A_28 = tpu.memref_squeeze %dma_wait3A_27 : memref<1x1x96x128xi32, #tpu.memory_space<hbm>> -> memref<96x128xi32, #tpu.memory_space<hbm>>
      %dma_wait3A_29 = arith.constant 0 : i32
      %dma_wait3A_30 = arith.constant 0 : i32
      %dma_wait3A_31 = tpu.memref_slice %arg4[%arg0, %arg1, %dma_wait3A_29, %dma_wait3A_30] : memref<2x16x96x128xi32, #tpu.memory_space<hbm>> -> memref<1x1x96x128xi32, #tpu.memory_space<hbm>>
      %dma_wait3A_32 = tpu.memref_squeeze %dma_wait3A_31 : memref<1x1x96x128xi32, #tpu.memory_space<hbm>> -> memref<96x128xi32, #tpu.memory_space<hbm>>
      tpu.wait_dma2 semaphore(%run_scoped3A : memref<!tpu.dma_semaphore, #tpu.memory_space<semaphore_mem>>) src(%dma_wait3A_32 : memref<96x128xi32, #tpu.memory_space<hbm>>) dst(%arg8 : memref<96x128xi32, #tpu.memory_space<vmem>>)
      tpu.yield
    }) : () -> ()
    %barrier3A = arith.constant 0 : index
    tpu.barrier barrier_id(%barrier3A)
    %while3A = arith.constant 0 : i32
    %while3A_5 = arith.constant 0 : i32
    %while3A_6 = arith.subi %select_n3A, %while3A_5 : i32
    %while3A_7 = arith.addi %while3A_5, %while3A_6 : i32
    %while3A_8 = arith.constant 1 : i32
    %while3A_9 = arith.divsi %while3A_6, %while3A_8 : i32
    %while3A_10 = arith.muli %while3A_9, %while3A_8 : i32
    %while3A_11 = arith.addi %while3A_5, %while3A_10 : i32
    %while3A_12 = arith.constant 1 : i32
    scf.for %while3A_19 = %while3A_5 to %while3A_11 step %while3A_12  : i32 {
      %dma_start3A = arith.constant 0 : i32
      %dma_start3A_20 = tpu.memref_slice %arg7[%while3A_19, %dma_start3A] : memref<96x128xi32, #tpu.memory_space<vmem>> -> memref<1x128xi32, #tpu.memory_space<vmem>>
      %dma_start3A_21 = tpu.memref_squeeze %dma_start3A_20 : memref<1x128xi32, #tpu.memory_space<vmem>> -> memref<128xi32, #tpu.memory_space<vmem>>
      %dma_start3A_22 = arith.constant 0 : i32
      %dma_start3A_23 = arith.constant 0 : i32
      %dma_start3A_24 = tpu.memref_slice %arg2[%dma_start3A_22, %dma_start3A_23] : memref<10000x128xf32, #tpu.memory_space<hbm>> -> memref<10000x128xf32, #tpu.memory_space<hbm>>
      tpu.enqueue_indirect_dma source(%dma_start3A_24 : memref<10000x128xf32, #tpu.memory_space<hbm>>) target(%arg9 : memref<128x128xf32, #tpu.memory_space<vmem>>) offsets(%dma_start3A_21 : memref<128xi32, #tpu.memory_space<vmem>>) semaphore(%arg11 : memref<!tpu.dma_semaphore, #tpu.memory_space<semaphore_mem>>)
      %dma_wait3A = arith.constant 0 : i32
      %dma_wait3A_25 = tpu.memref_slice %arg7[%while3A_19, %dma_wait3A] : memref<96x128xi32, #tpu.memory_space<vmem>> -> memref<1x128xi32, #tpu.memory_space<vmem>>
      %dma_wait3A_26 = tpu.memref_squeeze %dma_wait3A_25 : memref<1x128xi32, #tpu.memory_space<vmem>> -> memref<128xi32, #tpu.memory_space<vmem>>
      %dma_wait3A_27 = arith.constant 0 : i32
      %dma_wait3A_28 = arith.constant 0 : i32
      %dma_wait3A_29 = tpu.memref_slice %arg2[%dma_wait3A_27, %dma_wait3A_28] : memref<10000x128xf32, #tpu.memory_space<hbm>> -> memref<10000x128xf32, #tpu.memory_space<hbm>>
      tpu.wait_indirect_dma semaphore(%arg11 : memref<!tpu.dma_semaphore, #tpu.memory_space<semaphore_mem>>) src(%dma_wait3A_29 : memref<10000x128xf32, #tpu.memory_space<hbm>>) dst(%arg9 : memref<128x128xf32, #tpu.memory_space<vmem>>)
      "tpu.region"() ({
        %run_scoped3A = tpu.sem_alloc : memref<!tpu.dma_semaphore, #tpu.memory_space<semaphore_mem>>
        %dma_start3A_30 = arith.constant 0 : i32
        %dma_start3A_31 = tpu.memref_slice %arg8[%while3A_19, %dma_start3A_30] : memref<96x128xi32, #tpu.memory_space<vmem>> -> memref<1x128xi32, #tpu.memory_space<vmem>>
        %dma_start3A_32 = tpu.memref_squeeze %dma_start3A_31 : memref<1x128xi32, #tpu.memory_space<vmem>> -> memref<128xi32, #tpu.memory_space<vmem>>
        %dma_start3A_33 = arith.constant 0 : i32
        %dma_start3A_34 = arith.constant 0 : i32
        %dma_start3A_35 = tpu.memref_slice %arg10[%dma_start3A_33, %dma_start3A_34] : memref<10240x128xf32, #tpu.memory_space<vmem_shared>> -> memref<10240x128xf32, #tpu.memory_space<vmem_shared>>
        tpu.enqueue_indirect_dma source(%arg9 : memref<128x128xf32, #tpu.memory_space<vmem>>) target(%dma_start3A_35 : memref<10240x128xf32, #tpu.memory_space<vmem_shared>>) offsets(%dma_start3A_32 : memref<128xi32, #tpu.memory_space<vmem>>) semaphore(%run_scoped3A : memref<!tpu.dma_semaphore, #tpu.memory_space<semaphore_mem>>) {add = true}
        %dma_wait3A_36 = arith.constant 0 : i32
        %dma_wait3A_37 = tpu.memref_slice %arg8[%while3A_19, %dma_wait3A_36] : memref<96x128xi32, #tpu.memory_space<vmem>> -> memref<1x128xi32, #tpu.memory_space<vmem>>
        %dma_wait3A_38 = tpu.memref_squeeze %dma_wait3A_37 : memref<1x128xi32, #tpu.memory_space<vmem>> -> memref<128xi32, #tpu.memory_space<vmem>>
        %dma_wait3A_39 = arith.constant 0 : i32
        %dma_wait3A_40 = arith.constant 0 : i32
        %dma_wait3A_41 = tpu.memref_slice %arg10[%dma_wait3A_39, %dma_wait3A_40] : memref<10240x128xf32, #tpu.memory_space<vmem_shared>> -> memref<10240x128xf32, #tpu.memory_space<vmem_shared>>
        tpu.wait_indirect_dma semaphore(%run_scoped3A : memref<!tpu.dma_semaphore, #tpu.memory_space<semaphore_mem>>) src(%arg9 : memref<128x128xf32, #tpu.memory_space<vmem>>) dst(%dma_wait3A_41 : memref<10240x128xf32, #tpu.memory_space<vmem_shared>>)
        tpu.yield
      }) : () -> ()
    }
    %while3A_13 = arith.constant 1 : i32
    scf.for %while3A_19 = %while3A_11 to %while3A_7 step %while3A_13  : i32 {
      %dma_start3A = arith.constant 0 : i32
      %dma_start3A_20 = tpu.memref_slice %arg7[%while3A_19, %dma_start3A] : memref<96x128xi32, #tpu.memory_space<vmem>> -> memref<1x128xi32, #tpu.memory_space<vmem>>
      %dma_start3A_21 = tpu.memref_squeeze %dma_start3A_20 : memref<1x128xi32, #tpu.memory_space<vmem>> -> memref<128xi32, #tpu.memory_space<vmem>>
      %dma_start3A_22 = arith.constant 0 : i32
      %dma_start3A_23 = arith.constant 0 : i32
      %dma_start3A_24 = tpu.memref_slice %arg2[%dma_start3A_22, %dma_start3A_23] : memref<10000x128xf32, #tpu.memory_space<hbm>> -> memref<10000x128xf32, #tpu.memory_space<hbm>>
      tpu.enqueue_indirect_dma source(%dma_start3A_24 : memref<10000x128xf32, #tpu.memory_space<hbm>>) target(%arg9 : memref<128x128xf32, #tpu.memory_space<vmem>>) offsets(%dma_start3A_21 : memref<128xi32, #tpu.memory_space<vmem>>) semaphore(%arg11 : memref<!tpu.dma_semaphore, #tpu.memory_space<semaphore_mem>>)
      %dma_wait3A = arith.constant 0 : i32
      %dma_wait3A_25 = tpu.memref_slice %arg7[%while3A_19, %dma_wait3A] : memref<96x128xi32, #tpu.memory_space<vmem>> -> memref<1x128xi32, #tpu.memory_space<vmem>>
      %dma_wait3A_26 = tpu.memref_squeeze %dma_wait3A_25 : memref<1x128xi32, #tpu.memory_space<vmem>> -> memref<128xi32, #tpu.memory_space<vmem>>
      %dma_wait3A_27 = arith.constant 0 : i32
      %dma_wait3A_28 = arith.constant 0 : i32
      %dma_wait3A_29 = tpu.memref_slice %arg2[%dma_wait3A_27, %dma_wait3A_28] : memref<10000x128xf32, #tpu.memory_space<hbm>> -> memref<10000x128xf32, #tpu.memory_space<hbm>>
      tpu.wait_indirect_dma semaphore(%arg11 : memref<!tpu.dma_semaphore, #tpu.memory_space<semaphore_mem>>) src(%dma_wait3A_29 : memref<10000x128xf32, #tpu.memory_space<hbm>>) dst(%arg9 : memref<128x128xf32, #tpu.memory_space<vmem>>)
      "tpu.region"() ({
        %run_scoped3A = tpu.sem_alloc : memref<!tpu.dma_semaphore, #tpu.memory_space<semaphore_mem>>
        %dma_start3A_30 = arith.constant 0 : i32
        %dma_start3A_31 = tpu.memref_slice %arg8[%while3A_19, %dma_start3A_30] : memref<96x128xi32, #tpu.memory_space<vmem>> -> memref<1x128xi32, #tpu.memory_space<vmem>>
        %dma_start3A_32 = tpu.memref_squeeze %dma_start3A_31 : memref<1x128xi32, #tpu.memory_space<vmem>> -> memref<128xi32, #tpu.memory_space<vmem>>
        %dma_start3A_33 = arith.constant 0 : i32
        %dma_start3A_34 = arith.constant 0 : i32
        %dma_start3A_35 = tpu.memref_slice %arg10[%dma_start3A_33, %dma_start3A_34] : memref<10240x128xf32, #tpu.memory_space<vmem_shared>> -> memref<10240x128xf32, #tpu.memory_space<vmem_shared>>
        tpu.enqueue_indirect_dma source(%arg9 : memref<128x128xf32, #tpu.memory_space<vmem>>) target(%dma_start3A_35 : memref<10240x128xf32, #tpu.memory_space<vmem_shared>>) offsets(%dma_start3A_32 : memref<128xi32, #tpu.memory_space<vmem>>) semaphore(%run_scoped3A : memref<!tpu.dma_semaphore, #tpu.memory_space<semaphore_mem>>) {add = true}
        %dma_wait3A_36 = arith.constant 0 : i32
        %dma_wait3A_37 = tpu.memref_slice %arg8[%while3A_19, %dma_wait3A_36] : memref<96x128xi32, #tpu.memory_space<vmem>> -> memref<1x128xi32, #tpu.memory_space<vmem>>
        %dma_wait3A_38 = tpu.memref_squeeze %dma_wait3A_37 : memref<1x128xi32, #tpu.memory_space<vmem>> -> memref<128xi32, #tpu.memory_space<vmem>>
        %dma_wait3A_39 = arith.constant 0 : i32
        %dma_wait3A_40 = arith.constant 0 : i32
        %dma_wait3A_41 = tpu.memref_slice %arg10[%dma_wait3A_39, %dma_wait3A_40] : memref<10240x128xf32, #tpu.memory_space<vmem_shared>> -> memref<10240x128xf32, #tpu.memory_space<vmem_shared>>
        tpu.wait_indirect_dma semaphore(%run_scoped3A : memref<!tpu.dma_semaphore, #tpu.memory_space<semaphore_mem>>) src(%arg9 : memref<128x128xf32, #tpu.memory_space<vmem>>) dst(%dma_wait3A_41 : memref<10240x128xf32, #tpu.memory_space<vmem_shared>>)
        tpu.yield
      }) : () -> ()
    }
    %barrier3A_14 = arith.constant 0 : index
    tpu.barrier barrier_id(%barrier3A_14)
    %mul3A_15 = arith.constant 640 : i32
    %mul3A_16 = arith.muli %arg1, %mul3A_15 : i32
    %mul3A_17 = arith.constant 640 : i32
    %mul3A_18 = arith.muli %arg1, %mul3A_17 : i32
    "tpu.region"() ({
      %run_scoped3A = tpu.sem_alloc : memref<!tpu.dma_semaphore, #tpu.memory_space<semaphore_mem>>
      %dma_start3A = arith.constant 0 : i32
      %dma_start3A_19 = tpu.memref_slice %arg6[%arg0, %mul3A_18, %dma_start3A] : memref<2x10240x128xf32, #tpu.memory_space<hbm>> -> memref<1x640x128xf32, #tpu.memory_space<hbm>>
      %dma_start3A_20 = tpu.memref_squeeze %dma_start3A_19 : memref<1x640x128xf32, #tpu.memory_space<hbm>> -> memref<640x128xf32, #tpu.memory_space<hbm>>
      %dma_start3A_21 = arith.constant 0 : i32
      %dma_start3A_22 = tpu.memref_slice %arg10[%mul3A_16, %dma_start3A_21] : memref<10240x128xf32, #tpu.memory_space<vmem_shared>> -> memref<640x128xf32, #tpu.memory_space<vmem_shared>>
      tpu.enqueue_dma source(%dma_start3A_22 : memref<640x128xf32, #tpu.memory_space<vmem_shared>>) target(%dma_start3A_20 : memref<640x128xf32, #tpu.memory_space<hbm>>) target_semaphore(%run_scoped3A : memref<!tpu.dma_semaphore, #tpu.memory_space<semaphore_mem>>)
      %dma_wait3A = arith.constant 0 : i32
      %dma_wait3A_23 = tpu.memref_slice %arg6[%arg0, %mul3A_18, %dma_wait3A] : memref<2x10240x128xf32, #tpu.memory_space<hbm>> -> memref<1x640x128xf32, #tpu.memory_space<hbm>>
      %dma_wait3A_24 = tpu.memref_squeeze %dma_wait3A_23 : memref<1x640x128xf32, #tpu.memory_space<hbm>> -> memref<640x128xf32, #tpu.memory_space<hbm>>
      %dma_wait3A_25 = arith.constant 0 : i32
      %dma_wait3A_26 = tpu.memref_slice %arg10[%mul3A_16, %dma_wait3A_25] : memref<10240x128xf32, #tpu.memory_space<vmem_shared>> -> memref<640x128xf32, #tpu.memory_space<vmem_shared>>
      tpu.wait_dma2 semaphore(%run_scoped3A : memref<!tpu.dma_semaphore, #tpu.memory_space<semaphore_mem>>) src(%dma_wait3A_26 : memref<640x128xf32, #tpu.memory_space<vmem_shared>>) dst(%dma_wait3A_24 : memref<640x128xf32, #tpu.memory_space<hbm>>)
      tpu.yield
    }) : () -> ()
    return
  }
}

#map = affine_map<(d0, d1) -> (0, 0)>
#map1 = affine_map<(d0, d1) -> (0, 0, 0, 0)>
#map2 = affine_map<(d0, d1) -> (0, 0, 0)>
module attributes {stable_mosaic.version = 14 : i64} {
  func.func @_agg(%arg0: i32, %arg1: i32, %arg2: memref<10000x128xf32, #tpu.memory_space<hbm>>, %arg3: memref<2x16x96x128xi32, #tpu.memory_space<hbm>>, %arg4: memref<2x16x96x128xi32, #tpu.memory_space<hbm>>, %arg5: memref<10240x128xf32, #tpu.memory_space<hbm>>, %arg6: memref<2x10240x128xf32, #tpu.memory_space<hbm>>, %arg7: memref<96x128xi32, #tpu.memory_space<vmem>>, %arg8: memref<96x128xi32, #tpu.memory_space<vmem>>, %arg9: memref<128x128xf32, #tpu.memory_space<vmem>>, %arg10: memref<10240x128xf32, #tpu.memory_space<vmem_shared>>, %arg11: memref<!tpu.dma_semaphore, #tpu.memory_space<semaphore_mem>>) attributes {dimension_semantics = [#tpu.dimension_semantics<core_parallel>, #tpu.dimension_semantics<subcore_parallel>], iteration_bounds = array<i64: 2, 16>, scalar_prefetch = 0 : i64, scratch_operands = 5 : i64, tpu.core_type = #tpu.core_type<sc_vector_subcore>, window_params = [{transform_indices = #map}, {transform_indices = #map1}, {transform_indices = #map1}, {transform_indices = #map}, {transform_indices = #map2}]} {
    %eq3A = arith.constant 1 : i32
    %eq3A_0 = arith.cmpi eq, %arg0, %eq3A : i32
    %jit3A = arith.constant 95 : i32
    %jit3A_1 = arith.constant 67 : i32
    %select_n3A = arith.select %eq3A_0, %jit3A, %jit3A_1 : i32
    %mul3A = arith.constant 640 : i32
    %mul3A_2 = arith.muli %arg1, %mul3A : i32
    %mul3A_3 = arith.constant 640 : i32
    %mul3A_4 = arith.muli %arg1, %mul3A_3 : i32
    "tpu.region"() ({
      %run_scoped3A = tpu.sem_alloc : memref<!tpu.dma_semaphore, #tpu.memory_space<semaphore_mem>>
      %dma_start3A = arith.constant 0 : i32
      %dma_start3A_19 = tpu.memref_slice %arg10[%mul3A_4, %dma_start3A] : memref<10240x128xf32, #tpu.memory_space<vmem_shared>> -> memref<640x128xf32, #tpu.memory_space<vmem_shared>>
      %dma_start3A_20 = arith.constant 0 : i32
      %dma_start3A_21 = tpu.memref_slice %arg5[%mul3A_2, %dma_start3A_20] : memref<10240x128xf32, #tpu.memory_space<hbm>> -> memref<640x128xf32, #tpu.memory_space<hbm>>
      tpu.enqueue_dma source(%dma_start3A_21 : memref<640x128xf32, #tpu.memory_space<hbm>>) target(%dma_start3A_19 : memref<640x128xf32, #tpu.memory_space<vmem_shared>>) target_semaphore(%run_scoped3A : memref<!tpu.dma_semaphore, #tpu.memory_space<semaphore_mem>>)
      %dma_wait3A = arith.constant 0 : i32
      %dma_wait3A_22 = tpu.memref_slice %arg10[%mul3A_4, %dma_wait3A] : memref<10240x128xf32, #tpu.memory_space<vmem_shared>> -> memref<640x128xf32, #tpu.memory_space<vmem_shared>>
      %dma_wait3A_23 = arith.constant 0 : i32
      %dma_wait3A_24 = tpu.memref_slice %arg5[%mul3A_2, %dma_wait3A_23] : memref<10240x128xf32, #tpu.memory_space<hbm>> -> memref<640x128xf32, #tpu.memory_space<hbm>>
      tpu.wait_dma2 semaphore(%run_scoped3A : memref<!tpu.dma_semaphore, #tpu.memory_space<semaphore_mem>>) src(%dma_wait3A_24 : memref<640x128xf32, #tpu.memory_space<hbm>>) dst(%dma_wait3A_22 : memref<640x128xf32, #tpu.memory_space<vmem_shared>>)
      tpu.yield
    }) : () -> ()
    "tpu.region"() ({
      %run_scoped3A = tpu.sem_alloc : memref<!tpu.dma_semaphore, #tpu.memory_space<semaphore_mem>>
      %dma_start3A = arith.constant 0 : i32
      %dma_start3A_19 = arith.constant 0 : i32
      %dma_start3A_20 = tpu.memref_slice %arg3[%arg0, %arg1, %dma_start3A, %dma_start3A_19] : memref<2x16x96x128xi32, #tpu.memory_space<hbm>> -> memref<1x1x96x128xi32, #tpu.memory_space<hbm>>
      %dma_start3A_21 = tpu.memref_squeeze %dma_start3A_20 : memref<1x1x96x128xi32, #tpu.memory_space<hbm>> -> memref<96x128xi32, #tpu.memory_space<hbm>>
      %dma_start3A_22 = arith.constant 0 : i32
      %dma_start3A_23 = arith.constant 0 : i32
      %dma_start3A_24 = tpu.memref_slice %arg3[%arg0, %arg1, %dma_start3A_22, %dma_start3A_23] : memref<2x16x96x128xi32, #tpu.memory_space<hbm>> -> memref<1x1x96x128xi32, #tpu.memory_space<hbm>>
      %dma_start3A_25 = tpu.memref_squeeze %dma_start3A_24 : memref<1x1x96x128xi32, #tpu.memory_space<hbm>> -> memref<96x128xi32, #tpu.memory_space<hbm>>
      tpu.enqueue_dma source(%dma_start3A_25 : memref<96x128xi32, #tpu.memory_space<hbm>>) target(%arg7 : memref<96x128xi32, #tpu.memory_space<vmem>>) target_semaphore(%run_scoped3A : memref<!tpu.dma_semaphore, #tpu.memory_space<semaphore_mem>>)
      %dma_wait3A = arith.constant 0 : i32
      %dma_wait3A_26 = arith.constant 0 : i32
      %dma_wait3A_27 = tpu.memref_slice %arg3[%arg0, %arg1, %dma_wait3A, %dma_wait3A_26] : memref<2x16x96x128xi32, #tpu.memory_space<hbm>> -> memref<1x1x96x128xi32, #tpu.memory_space<hbm>>
      %dma_wait3A_28 = tpu.memref_squeeze %dma_wait3A_27 : memref<1x1x96x128xi32, #tpu.memory_space<hbm>> -> memref<96x128xi32, #tpu.memory_space<hbm>>
      %dma_wait3A_29 = arith.constant 0 : i32
      %dma_wait3A_30 = arith.constant 0 : i32
      %dma_wait3A_31 = tpu.memref_slice %arg3[%arg0, %arg1, %dma_wait3A_29, %dma_wait3A_30] : memref<2x16x96x128xi32, #tpu.memory_space<hbm>> -> memref<1x1x96x128xi32, #tpu.memory_space<hbm>>
      %dma_wait3A_32 = tpu.memref_squeeze %dma_wait3A_31 : memref<1x1x96x128xi32, #tpu.memory_space<hbm>> -> memref<96x128xi32, #tpu.memory_space<hbm>>
      tpu.wait_dma2 semaphore(%run_scoped3A : memref<!tpu.dma_semaphore, #tpu.memory_space<semaphore_mem>>) src(%dma_wait3A_32 : memref<96x128xi32, #tpu.memory_space<hbm>>) dst(%arg7 : memref<96x128xi32, #tpu.memory_space<vmem>>)
      tpu.yield
    }) : () -> ()
    "tpu.region"() ({
      %run_scoped3A = tpu.sem_alloc : memref<!tpu.dma_semaphore, #tpu.memory_space<semaphore_mem>>
      %dma_start3A = arith.constant 0 : i32
      %dma_start3A_19 = arith.constant 0 : i32
      %dma_start3A_20 = tpu.memref_slice %arg4[%arg0, %arg1, %dma_start3A, %dma_start3A_19] : memref<2x16x96x128xi32, #tpu.memory_space<hbm>> -> memref<1x1x96x128xi32, #tpu.memory_space<hbm>>
      %dma_start3A_21 = tpu.memref_squeeze %dma_start3A_20 : memref<1x1x96x128xi32, #tpu.memory_space<hbm>> -> memref<96x128xi32, #tpu.memory_space<hbm>>
      %dma_start3A_22 = arith.constant 0 : i32
      %dma_start3A_23 = arith.constant 0 : i32
      %dma_start3A_24 = tpu.memref_slice %arg4[%arg0, %arg1, %dma_start3A_22, %dma_start3A_23] : memref<2x16x96x128xi32, #tpu.memory_space<hbm>> -> memref<1x1x96x128xi32, #tpu.memory_space<hbm>>
      %dma_start3A_25 = tpu.memref_squeeze %dma_start3A_24 : memref<1x1x96x128xi32, #tpu.memory_space<hbm>> -> memref<96x128xi32, #tpu.memory_space<hbm>>
      tpu.enqueue_dma source(%dma_start3A_25 : memref<96x128xi32, #tpu.memory_space<hbm>>) target(%arg8 : memref<96x128xi32, #tpu.memory_space<vmem>>) target_semaphore(%run_scoped3A : memref<!tpu.dma_semaphore, #tpu.memory_space<semaphore_mem>>)
      %dma_wait3A = arith.constant 0 : i32
      %dma_wait3A_26 = arith.constant 0 : i32
      %dma_wait3A_27 = tpu.memref_slice %arg4[%arg0, %arg1, %dma_wait3A, %dma_wait3A_26] : memref<2x16x96x128xi32, #tpu.memory_space<hbm>> -> memref<1x1x96x128xi32, #tpu.memory_space<hbm>>
      %dma_wait3A_28 = tpu.memref_squeeze %dma_wait3A_27 : memref<1x1x96x128xi32, #tpu.memory_space<hbm>> -> memref<96x128xi32, #tpu.memory_space<hbm>>
      %dma_wait3A_29 = arith.constant 0 : i32
      %dma_wait3A_30 = arith.constant 0 : i32
      %dma_wait3A_31 = tpu.memref_slice %arg4[%arg0, %arg1, %dma_wait3A_29, %dma_wait3A_30] : memref<2x16x96x128xi32, #tpu.memory_space<hbm>> -> memref<1x1x96x128xi32, #tpu.memory_space<hbm>>
      %dma_wait3A_32 = tpu.memref_squeeze %dma_wait3A_31 : memref<1x1x96x128xi32, #tpu.memory_space<hbm>> -> memref<96x128xi32, #tpu.memory_space<hbm>>
      tpu.wait_dma2 semaphore(%run_scoped3A : memref<!tpu.dma_semaphore, #tpu.memory_space<semaphore_mem>>) src(%dma_wait3A_32 : memref<96x128xi32, #tpu.memory_space<hbm>>) dst(%arg8 : memref<96x128xi32, #tpu.memory_space<vmem>>)
      tpu.yield
    }) : () -> ()
    %barrier3A = arith.constant 0 : index
    tpu.barrier barrier_id(%barrier3A)
    %while3A = arith.constant 0 : i32
    %while3A_5 = arith.constant 0 : i32
    %while3A_6 = arith.subi %select_n3A, %while3A_5 : i32
    %while3A_7 = arith.addi %while3A_5, %while3A_6 : i32
    %while3A_8 = arith.constant 1 : i32
    %while3A_9 = arith.divsi %while3A_6, %while3A_8 : i32
    %while3A_10 = arith.muli %while3A_9, %while3A_8 : i32
    %while3A_11 = arith.addi %while3A_5, %while3A_10 : i32
    %while3A_12 = arith.constant 1 : i32
    scf.for %while3A_19 = %while3A_5 to %while3A_11 step %while3A_12  : i32 {
      %dma_start3A = arith.constant 0 : i32
      %dma_start3A_20 = tpu.memref_slice %arg7[%while3A_19, %dma_start3A] : memref<96x128xi32, #tpu.memory_space<vmem>> -> memref<1x128xi32, #tpu.memory_space<vmem>>
      %dma_start3A_21 = tpu.memref_squeeze %dma_start3A_20 : memref<1x128xi32, #tpu.memory_space<vmem>> -> memref<128xi32, #tpu.memory_space<vmem>>
      %dma_start3A_22 = arith.constant 0 : i32
      %dma_start3A_23 = arith.constant 0 : i32
      %dma_start3A_24 = tpu.memref_slice %arg2[%dma_start3A_22, %dma_start3A_23] : memref<10000x128xf32, #tpu.memory_space<hbm>> -> memref<10000x128xf32, #tpu.memory_space<hbm>>
      tpu.enqueue_indirect_dma source(%dma_start3A_24 : memref<10000x128xf32, #tpu.memory_space<hbm>>) target(%arg9 : memref<128x128xf32, #tpu.memory_space<vmem>>) offsets(%dma_start3A_21 : memref<128xi32, #tpu.memory_space<vmem>>) semaphore(%arg11 : memref<!tpu.dma_semaphore, #tpu.memory_space<semaphore_mem>>)
      %dma_wait3A = arith.constant 0 : i32
      %dma_wait3A_25 = tpu.memref_slice %arg7[%while3A_19, %dma_wait3A] : memref<96x128xi32, #tpu.memory_space<vmem>> -> memref<1x128xi32, #tpu.memory_space<vmem>>
      %dma_wait3A_26 = tpu.memref_squeeze %dma_wait3A_25 : memref<1x128xi32, #tpu.memory_space<vmem>> -> memref<128xi32, #tpu.memory_space<vmem>>
      %dma_wait3A_27 = arith.constant 0 : i32
      %dma_wait3A_28 = arith.constant 0 : i32
      %dma_wait3A_29 = tpu.memref_slice %arg2[%dma_wait3A_27, %dma_wait3A_28] : memref<10000x128xf32, #tpu.memory_space<hbm>> -> memref<10000x128xf32, #tpu.memory_space<hbm>>
      tpu.wait_indirect_dma semaphore(%arg11 : memref<!tpu.dma_semaphore, #tpu.memory_space<semaphore_mem>>) src(%dma_wait3A_29 : memref<10000x128xf32, #tpu.memory_space<hbm>>) dst(%arg9 : memref<128x128xf32, #tpu.memory_space<vmem>>)
      "tpu.region"() ({
        %run_scoped3A = tpu.sem_alloc : memref<!tpu.dma_semaphore, #tpu.memory_space<semaphore_mem>>
        %dma_start3A_30 = arith.constant 0 : i32
        %dma_start3A_31 = tpu.memref_slice %arg8[%while3A_19, %dma_start3A_30] : memref<96x128xi32, #tpu.memory_space<vmem>> -> memref<1x128xi32, #tpu.memory_space<vmem>>
        %dma_start3A_32 = tpu.memref_squeeze %dma_start3A_31 : memref<1x128xi32, #tpu.memory_space<vmem>> -> memref<128xi32, #tpu.memory_space<vmem>>
        %dma_start3A_33 = arith.constant 0 : i32
        %dma_start3A_34 = arith.constant 0 : i32
        %dma_start3A_35 = tpu.memref_slice %arg10[%dma_start3A_33, %dma_start3A_34] : memref<10240x128xf32, #tpu.memory_space<vmem_shared>> -> memref<10240x128xf32, #tpu.memory_space<vmem_shared>>
        tpu.enqueue_indirect_dma source(%arg9 : memref<128x128xf32, #tpu.memory_space<vmem>>) target(%dma_start3A_35 : memref<10240x128xf32, #tpu.memory_space<vmem_shared>>) offsets(%dma_start3A_32 : memref<128xi32, #tpu.memory_space<vmem>>) semaphore(%run_scoped3A : memref<!tpu.dma_semaphore, #tpu.memory_space<semaphore_mem>>) {add = true}
        %dma_wait3A_36 = arith.constant 0 : i32
        %dma_wait3A_37 = tpu.memref_slice %arg8[%while3A_19, %dma_wait3A_36] : memref<96x128xi32, #tpu.memory_space<vmem>> -> memref<1x128xi32, #tpu.memory_space<vmem>>
        %dma_wait3A_38 = tpu.memref_squeeze %dma_wait3A_37 : memref<1x128xi32, #tpu.memory_space<vmem>> -> memref<128xi32, #tpu.memory_space<vmem>>
        %dma_wait3A_39 = arith.constant 0 : i32
        %dma_wait3A_40 = arith.constant 0 : i32
        %dma_wait3A_41 = tpu.memref_slice %arg10[%dma_wait3A_39, %dma_wait3A_40] : memref<10240x128xf32, #tpu.memory_space<vmem_shared>> -> memref<10240x128xf32, #tpu.memory_space<vmem_shared>>
        tpu.wait_indirect_dma semaphore(%run_scoped3A : memref<!tpu.dma_semaphore, #tpu.memory_space<semaphore_mem>>) src(%arg9 : memref<128x128xf32, #tpu.memory_space<vmem>>) dst(%dma_wait3A_41 : memref<10240x128xf32, #tpu.memory_space<vmem_shared>>)
        tpu.yield
      }) : () -> ()
    }
    %while3A_13 = arith.constant 1 : i32
    scf.for %while3A_19 = %while3A_11 to %while3A_7 step %while3A_13  : i32 {
      %dma_start3A = arith.constant 0 : i32
      %dma_start3A_20 = tpu.memref_slice %arg7[%while3A_19, %dma_start3A] : memref<96x128xi32, #tpu.memory_space<vmem>> -> memref<1x128xi32, #tpu.memory_space<vmem>>
      %dma_start3A_21 = tpu.memref_squeeze %dma_start3A_20 : memref<1x128xi32, #tpu.memory_space<vmem>> -> memref<128xi32, #tpu.memory_space<vmem>>
      %dma_start3A_22 = arith.constant 0 : i32
      %dma_start3A_23 = arith.constant 0 : i32
      %dma_start3A_24 = tpu.memref_slice %arg2[%dma_start3A_22, %dma_start3A_23] : memref<10000x128xf32, #tpu.memory_space<hbm>> -> memref<10000x128xf32, #tpu.memory_space<hbm>>
      tpu.enqueue_indirect_dma source(%dma_start3A_24 : memref<10000x128xf32, #tpu.memory_space<hbm>>) target(%arg9 : memref<128x128xf32, #tpu.memory_space<vmem>>) offsets(%dma_start3A_21 : memref<128xi32, #tpu.memory_space<vmem>>) semaphore(%arg11 : memref<!tpu.dma_semaphore, #tpu.memory_space<semaphore_mem>>)
      %dma_wait3A = arith.constant 0 : i32
      %dma_wait3A_25 = tpu.memref_slice %arg7[%while3A_19, %dma_wait3A] : memref<96x128xi32, #tpu.memory_space<vmem>> -> memref<1x128xi32, #tpu.memory_space<vmem>>
      %dma_wait3A_26 = tpu.memref_squeeze %dma_wait3A_25 : memref<1x128xi32, #tpu.memory_space<vmem>> -> memref<128xi32, #tpu.memory_space<vmem>>
      %dma_wait3A_27 = arith.constant 0 : i32
      %dma_wait3A_28 = arith.constant 0 : i32
      %dma_wait3A_29 = tpu.memref_slice %arg2[%dma_wait3A_27, %dma_wait3A_28] : memref<10000x128xf32, #tpu.memory_space<hbm>> -> memref<10000x128xf32, #tpu.memory_space<hbm>>
      tpu.wait_indirect_dma semaphore(%arg11 : memref<!tpu.dma_semaphore, #tpu.memory_space<semaphore_mem>>) src(%dma_wait3A_29 : memref<10000x128xf32, #tpu.memory_space<hbm>>) dst(%arg9 : memref<128x128xf32, #tpu.memory_space<vmem>>)
      "tpu.region"() ({
        %run_scoped3A = tpu.sem_alloc : memref<!tpu.dma_semaphore, #tpu.memory_space<semaphore_mem>>
        %dma_start3A_30 = arith.constant 0 : i32
        %dma_start3A_31 = tpu.memref_slice %arg8[%while3A_19, %dma_start3A_30] : memref<96x128xi32, #tpu.memory_space<vmem>> -> memref<1x128xi32, #tpu.memory_space<vmem>>
        %dma_start3A_32 = tpu.memref_squeeze %dma_start3A_31 : memref<1x128xi32, #tpu.memory_space<vmem>> -> memref<128xi32, #tpu.memory_space<vmem>>
        %dma_start3A_33 = arith.constant 0 : i32
        %dma_start3A_34 = arith.constant 0 : i32
        %dma_start3A_35 = tpu.memref_slice %arg10[%dma_start3A_33, %dma_start3A_34] : memref<10240x128xf32, #tpu.memory_space<vmem_shared>> -> memref<10240x128xf32, #tpu.memory_space<vmem_shared>>
        tpu.enqueue_indirect_dma source(%arg9 : memref<128x128xf32, #tpu.memory_space<vmem>>) target(%dma_start3A_35 : memref<10240x128xf32, #tpu.memory_space<vmem_shared>>) offsets(%dma_start3A_32 : memref<128xi32, #tpu.memory_space<vmem>>) semaphore(%run_scoped3A : memref<!tpu.dma_semaphore, #tpu.memory_space<semaphore_mem>>) {add = true}
        %dma_wait3A_36 = arith.constant 0 : i32
        %dma_wait3A_37 = tpu.memref_slice %arg8[%while3A_19, %dma_wait3A_36] : memref<96x128xi32, #tpu.memory_space<vmem>> -> memref<1x128xi32, #tpu.memory_space<vmem>>
        %dma_wait3A_38 = tpu.memref_squeeze %dma_wait3A_37 : memref<1x128xi32, #tpu.memory_space<vmem>> -> memref<128xi32, #tpu.memory_space<vmem>>
        %dma_wait3A_39 = arith.constant 0 : i32
        %dma_wait3A_40 = arith.constant 0 : i32
        %dma_wait3A_41 = tpu.memref_slice %arg10[%dma_wait3A_39, %dma_wait3A_40] : memref<10240x128xf32, #tpu.memory_space<vmem_shared>> -> memref<10240x128xf32, #tpu.memory_space<vmem_shared>>
        tpu.wait_indirect_dma semaphore(%run_scoped3A : memref<!tpu.dma_semaphore, #tpu.memory_space<semaphore_mem>>) src(%arg9 : memref<128x128xf32, #tpu.memory_space<vmem>>) dst(%dma_wait3A_41 : memref<10240x128xf32, #tpu.memory_space<vmem_shared>>)
        tpu.yield
      }) : () -> ()
    }
    %barrier3A_14 = arith.constant 0 : index
    tpu.barrier barrier_id(%barrier3A_14)
    %mul3A_15 = arith.constant 640 : i32
    %mul3A_16 = arith.muli %arg1, %mul3A_15 : i32
    %mul3A_17 = arith.constant 640 : i32
    %mul3A_18 = arith.muli %arg1, %mul3A_17 : i32
    "tpu.region"() ({
      %run_scoped3A = tpu.sem_alloc : memref<!tpu.dma_semaphore, #tpu.memory_space<semaphore_mem>>
      %dma_start3A = arith.constant 0 : i32
      %dma_start3A_19 = tpu.memref_slice %arg6[%arg0, %mul3A_18, %dma_start3A] : memref<2x10240x128xf32, #tpu.memory_space<hbm>> -> memref<1x640x128xf32, #tpu.memory_space<hbm>>
      %dma_start3A_20 = tpu.memref_squeeze %dma_start3A_19 : memref<1x640x128xf32, #tpu.memory_space<hbm>> -> memref<640x128xf32, #tpu.memory_space<hbm>>
      %dma_start3A_21 = arith.constant 0 : i32
      %dma_start3A_22 = tpu.memref_slice %arg10[%mul3A_16, %dma_start3A_21] : memref<10240x128xf32, #tpu.memory_space<vmem_shared>> -> memref<640x128xf32, #tpu.memory_space<vmem_shared>>
      tpu.enqueue_dma source(%dma_start3A_22 : memref<640x128xf32, #tpu.memory_space<vmem_shared>>) target(%dma_start3A_20 : memref<640x128xf32, #tpu.memory_space<hbm>>) target_semaphore(%run_scoped3A : memref<!tpu.dma_semaphore, #tpu.memory_space<semaphore_mem>>)
      %dma_wait3A = arith.constant 0 : i32
      %dma_wait3A_23 = tpu.memref_slice %arg6[%arg0, %mul3A_18, %dma_wait3A] : memref<2x10240x128xf32, #tpu.memory_space<hbm>> -> memref<1x640x128xf32, #tpu.memory_space<hbm>>
      %dma_wait3A_24 = tpu.memref_squeeze %dma_wait3A_23 : memref<1x640x128xf32, #tpu.memory_space<hbm>> -> memref<640x128xf32, #tpu.memory_space<hbm>>
      %dma_wait3A_25 = arith.constant 0 : i32
      %dma_wait3A_26 = tpu.memref_slice %arg10[%mul3A_16, %dma_wait3A_25] : memref<10240x128xf32, #tpu.memory_space<vmem_shared>> -> memref<640x128xf32, #tpu.memory_space<vmem_shared>>
      tpu.wait_dma2 semaphore(%run_scoped3A : memref<!tpu.dma_semaphore, #tpu.memory_space<semaphore_mem>>) src(%dma_wait3A_26 : memref<640x128xf32, #tpu.memory_space<vmem_shared>>) dst(%dma_wait3A_24 : memref<640x128xf32, #tpu.memory_space<hbm>>)
      tpu.yield
    }) : () -> ()
    return
  }
}

module attributes {stable_mosaic.version = 14 : i64} {
  func.func @_stage0_body(%arg0: memref<10000x1xf32, #tpu.memory_space<vmem>>, %arg1: memref<10000x1xf32, #tpu.memory_space<vmem>>, %arg2: memref<10000x128xf32, #tpu.memory_space<vmem>>, %arg3: memref<128x128xf32, #tpu.memory_space<vmem>>, %arg4: memref<10000x1xf32, #tpu.memory_space<vmem>>, %arg5: memref<10000x128xf32, #tpu.memory_space<vmem>>) attributes {dimension_semantics = [], scalar_prefetch = 0 : i64, scratch_operands = 0 : i64, tpu.core_type = #tpu.core_type<tc>} {
    %get3A = arith.constant 0 : index
    %get3A_0 = arith.constant 0 : index
    %get3A_1 = vector.load %arg0[%get3A, %get3A_0] : memref<10000x1xf32, #tpu.memory_space<vmem>>, vector<10000x1xf32>
    %get3A_2 = arith.constant 0 : index
    %get3A_3 = arith.constant 0 : index
    %get3A_4 = vector.load %arg1[%get3A_2, %get3A_3] : memref<10000x1xf32, #tpu.memory_space<vmem>>, vector<10000x1xf32>
    %add3A = arith.addf %get3A_1, %get3A_4 : vector<10000x1xf32>
    %rsqrt3A = math.rsqrt %add3A : vector<10000x1xf32>
    %swap3A = arith.constant 0 : index
    %swap3A_5 = arith.constant 0 : index
    %swap3A_6 = vector.load %arg4[%swap3A, %swap3A_5] : memref<10000x1xf32, #tpu.memory_space<vmem>>, vector<10000x1xf32>
    tpu.vector_store %arg4[%swap3A, %swap3A_5], %rsqrt3A {strides = array<i32>} : memref<10000x1xf32, #tpu.memory_space<vmem>>, vector<10000x1xf32>,
    %get3A_7 = arith.constant 0 : index
    %get3A_8 = arith.constant 0 : index
    %get3A_9 = vector.load %arg2[%get3A_7, %get3A_8] : memref<10000x128xf32, #tpu.memory_space<vmem>>, vector<10000x128xf32>
    %mul3A = vector.broadcast %rsqrt3A : vector<10000x1xf32> to vector<10000x128xf32>
    %mul3A_10 = arith.mulf %get3A_9, %mul3A : vector<10000x128xf32>
    %get3A_11 = arith.constant 0 : index
    %get3A_12 = arith.constant 0 : index
    %get3A_13 = vector.load %arg3[%get3A_11, %get3A_12] : memref<128x128xf32, #tpu.memory_space<vmem>>, vector<128x128xf32>
    %dot_general3A = arith.constant dense<0.000000e+00> : vector<10000x128xf32>
    %dot_general3A_14 = tpu.matmul %mul3A_10, %get3A_13, %dot_general3A {dimension_numbers = #tpu.dot_dimension_numbers<[1], [0], [0], [1], [0, 0, 1, 1], [], []>, transpose_lhs_hint = false} : vector<10000x128xf32>, vector<128x128xf32>, vector<10000x128xf32> -> vector<10000x128xf32>
    %swap3A_15 = arith.constant 0 : index
    %swap3A_16 = arith.constant 0 : index
    %swap3A_17 = vector.load %arg5[%swap3A_15, %swap3A_16] : memref<10000x128xf32, #tpu.memory_space<vmem>>, vector<10000x128xf32>
    tpu.vector_store %arg5[%swap3A_15, %swap3A_16], %dot_general3A_14 {strides = array<i32>} : memref<10000x128xf32, #tpu.memory_space<vmem>>, vector<10000x128xf32>,
    return
  }
}

module attributes {stable_mosaic.version = 14 : i64} {
  func.func @_stage_mid_body(%arg0: memref<10240x128xf32, #tpu.memory_space<vmem>>, %arg1: memref<10240x128xf32, #tpu.memory_space<vmem>>, %arg2: memref<10000x1xf32, #tpu.memory_space<vmem>>, %arg3: memref<1x128xf32, #tpu.memory_space<vmem>>, %arg4: memref<1x128xf32, #tpu.memory_space<vmem>>, %arg5: memref<1x128xf32, #tpu.memory_space<vmem>>, %arg6: memref<128x128xf32, #tpu.memory_space<vmem>>, %arg7: memref<10000x128xf32, #tpu.memory_space<vmem>>) attributes {dimension_semantics = [], scalar_prefetch = 0 : i64, scratch_operands = 0 : i64, tpu.core_type = #tpu.core_type<tc>} {
    %get3A = arith.constant 0 : index
    %get3A_0 = arith.constant 0 : index
    %get3A_1 = vector.load %arg2[%get3A, %get3A_0] : memref<10000x1xf32, #tpu.memory_space<vmem>>, vector<10000x1xf32>
    %get3A_2 = arith.constant 0 : index
    %get3A_3 = arith.constant 0 : index
    %get3A_4 = vector.load %arg0[%get3A_2, %get3A_3] : memref<10240x128xf32, #tpu.memory_space<vmem>>, vector<10000x128xf32>
    %get3A_5 = arith.constant 0 : index
    %get3A_6 = arith.constant 0 : index
    %get3A_7 = vector.load %arg1[%get3A_5, %get3A_6] : memref<10240x128xf32, #tpu.memory_space<vmem>>, vector<10000x128xf32>
    %add3A = arith.addf %get3A_4, %get3A_7 : vector<10000x128xf32>
    %mul3A = vector.broadcast %get3A_1 : vector<10000x1xf32> to vector<10000x128xf32>
    %mul3A_8 = arith.mulf %add3A, %mul3A : vector<10000x128xf32>
    %get3A_9 = arith.constant 0 : index
    %get3A_10 = arith.constant 0 : index
    %get3A_11 = vector.load %arg3[%get3A_9, %get3A_10] : memref<1x128xf32, #tpu.memory_space<vmem>>, vector<1x128xf32>
    %add3A_12 = vector.broadcast %get3A_11 : vector<1x128xf32> to vector<10000x128xf32>
    %add3A_13 = arith.addf %mul3A_8, %add3A_12 : vector<10000x128xf32>
    %reduce_sum3A = arith.constant dense<0.000000e+00> : vector<128xf32>
    %reduce_sum3A_14 = vector.multi_reduction <add>, %add3A_13, %reduce_sum3A [0] : vector<10000x128xf32> to vector<128xf32>
    %broadcast_in_dim3A = vector.shape_cast %reduce_sum3A_14 : vector<128xf32> to vector<1x128xf32>
    %div3A = arith.constant 1.000000e+04 : f32
    %div3A_15 = vector.broadcast %div3A : f32 to vector<1x128xf32>
    %div3A_16 = arith.divf %broadcast_in_dim3A, %div3A_15 : vector<1x128xf32>
    %sub3A = vector.broadcast %div3A_16 : vector<1x128xf32> to vector<10000x128xf32>
    %sub3A_17 = arith.subf %add3A_13, %sub3A : vector<10000x128xf32>
    %mul3A_18 = arith.mulf %sub3A_17, %sub3A_17 : vector<10000x128xf32>
    %reduce_sum3A_19 = arith.constant dense<0.000000e+00> : vector<128xf32>
    %reduce_sum3A_20 = vector.multi_reduction <add>, %mul3A_18, %reduce_sum3A_19 [0] : vector<10000x128xf32> to vector<128xf32>
    %broadcast_in_dim3A_21 = vector.shape_cast %reduce_sum3A_20 : vector<128xf32> to vector<1x128xf32>
    %div3A_22 = arith.constant 1.000000e+04 : f32
    %div3A_23 = vector.broadcast %div3A_22 : f32 to vector<1x128xf32>
    %div3A_24 = arith.divf %broadcast_in_dim3A_21, %div3A_23 : vector<1x128xf32>
    %get3A_25 = arith.constant 0 : index
    %get3A_26 = arith.constant 0 : index
    %get3A_27 = vector.load %arg4[%get3A_25, %get3A_26] : memref<1x128xf32, #tpu.memory_space<vmem>>, vector<1x128xf32>
    %mul3A_28 = vector.broadcast %get3A_27 : vector<1x128xf32> to vector<10000x128xf32>
    %mul3A_29 = arith.mulf %mul3A_28, %sub3A_17 : vector<10000x128xf32>
    %add3A_30 = arith.constant 9.99999974E-6 : f32
    %add3A_31 = vector.broadcast %add3A_30 : f32 to vector<1x128xf32>
    %add3A_32 = arith.addf %div3A_24, %add3A_31 : vector<1x128xf32>
    %rsqrt3A = math.rsqrt %add3A_32 : vector<1x128xf32>
    %mul3A_33 = vector.broadcast %rsqrt3A : vector<1x128xf32> to vector<10000x128xf32>
    %mul3A_34 = arith.mulf %mul3A_29, %mul3A_33 : vector<10000x128xf32>
    %get3A_35 = arith.constant 0 : index
    %get3A_36 = arith.constant 0 : index
    %get3A_37 = vector.load %arg5[%get3A_35, %get3A_36] : memref<1x128xf32, #tpu.memory_space<vmem>>, vector<1x128xf32>
    %add3A_38 = vector.broadcast %get3A_37 : vector<1x128xf32> to vector<10000x128xf32>
    %add3A_39 = arith.addf %mul3A_34, %add3A_38 : vector<10000x128xf32>
    %max3A = arith.constant 0.000000e+00 : f32
    %max3A_40 = vector.broadcast %max3A : f32 to vector<10000x128xf32>
    %max3A_41 = arith.maximumf %add3A_39, %max3A_40 : vector<10000x128xf32>
    %mul3A_42 = vector.broadcast %get3A_1 : vector<10000x1xf32> to vector<10000x128xf32>
    %mul3A_43 = arith.mulf %max3A_41, %mul3A_42 : vector<10000x128xf32>
    %get3A_44 = arith.constant 0 : index
    %get3A_45 = arith.constant 0 : index
    %get3A_46 = vector.load %arg6[%get3A_44, %get3A_45] : memref<128x128xf32, #tpu.memory_space<vmem>>, vector<128x128xf32>
    %dot_general3A = arith.constant dense<0.000000e+00> : vector<10000x128xf32>
    %dot_general3A_47 = tpu.matmul %mul3A_43, %get3A_46, %dot_general3A {dimension_numbers = #tpu.dot_dimension_numbers<[1], [0], [0], [1], [0, 0, 1, 1], [], []>, transpose_lhs_hint = false} : vector<10000x128xf32>, vector<128x128xf32>, vector<10000x128xf32> -> vector<10000x128xf32>
    %swap3A = arith.constant 0 : index
    %swap3A_48 = arith.constant 0 : index
    %swap3A_49 = vector.load %arg7[%swap3A, %swap3A_48] : memref<10000x128xf32, #tpu.memory_space<vmem>>, vector<10000x128xf32>
    tpu.vector_store %arg7[%swap3A, %swap3A_48], %dot_general3A_47 {strides = array<i32>} : memref<10000x128xf32, #tpu.memory_space<vmem>>, vector<10000x128xf32>,
    return
  }
}

module attributes {stable_mosaic.version = 14 : i64} {
  func.func @_stage_final_body(%arg0: memref<10240x128xf32, #tpu.memory_space<vmem>>, %arg1: memref<10240x128xf32, #tpu.memory_space<vmem>>, %arg2: memref<10000x1xf32, #tpu.memory_space<vmem>>, %arg3: memref<1x64xf32, #tpu.memory_space<vmem>>, %arg4: memref<1x64xf32, #tpu.memory_space<vmem>>, %arg5: memref<1x64xf32, #tpu.memory_space<vmem>>, %arg6: memref<10000x1xi32, #tpu.memory_space<vmem>>, %arg7: memref<64x10xf32, #tpu.memory_space<vmem>>, %arg8: memref<1x10xf32, #tpu.memory_space<vmem>>, %arg9: memref<64x10xf32, #tpu.memory_space<vmem>>) attributes {dimension_semantics = [], scalar_prefetch = 0 : i64, scratch_operands = 0 : i64, tpu.core_type = #tpu.core_type<tc>} {
    %get3A = arith.constant 0 : index
    %get3A_0 = arith.constant 0 : index
    %get3A_1 = vector.load %arg0[%get3A, %get3A_0] : memref<10240x128xf32, #tpu.memory_space<vmem>>, vector<10000x64xf32>
    %get3A_2 = arith.constant 0 : index
    %get3A_3 = arith.constant 0 : index
    %get3A_4 = vector.load %arg1[%get3A_2, %get3A_3] : memref<10240x128xf32, #tpu.memory_space<vmem>>, vector<10000x64xf32>
    %add3A = arith.addf %get3A_1, %get3A_4 : vector<10000x64xf32>
    %get3A_5 = arith.constant 0 : index
    %get3A_6 = arith.constant 0 : index
    %get3A_7 = vector.load %arg2[%get3A_5, %get3A_6] : memref<10000x1xf32, #tpu.memory_space<vmem>>, vector<10000x1xf32>
    %mul3A = vector.broadcast %get3A_7 : vector<10000x1xf32> to vector<10000x64xf32>
    %mul3A_8 = arith.mulf %add3A, %mul3A : vector<10000x64xf32>
    %get3A_9 = arith.constant 0 : index
    %get3A_10 = arith.constant 0 : index
    %get3A_11 = vector.load %arg3[%get3A_9, %get3A_10] : memref<1x64xf32, #tpu.memory_space<vmem>>, vector<1x64xf32>
    %add3A_12 = vector.broadcast %get3A_11 : vector<1x64xf32> to vector<10000x64xf32>
    %add3A_13 = arith.addf %mul3A_8, %add3A_12 : vector<10000x64xf32>
    %reduce_sum3A = arith.constant dense<0.000000e+00> : vector<64xf32>
    %reduce_sum3A_14 = vector.multi_reduction <add>, %add3A_13, %reduce_sum3A [0] : vector<10000x64xf32> to vector<64xf32>
    %broadcast_in_dim3A = vector.shape_cast %reduce_sum3A_14 : vector<64xf32> to vector<1x64xf32>
    %div3A = arith.constant 1.000000e+04 : f32
    %div3A_15 = vector.broadcast %div3A : f32 to vector<1x64xf32>
    %div3A_16 = arith.divf %broadcast_in_dim3A, %div3A_15 : vector<1x64xf32>
    %sub3A = vector.broadcast %div3A_16 : vector<1x64xf32> to vector<10000x64xf32>
    %sub3A_17 = arith.subf %add3A_13, %sub3A : vector<10000x64xf32>
    %mul3A_18 = arith.mulf %sub3A_17, %sub3A_17 : vector<10000x64xf32>
    %reduce_sum3A_19 = arith.constant dense<0.000000e+00> : vector<64xf32>
    %reduce_sum3A_20 = vector.multi_reduction <add>, %mul3A_18, %reduce_sum3A_19 [0] : vector<10000x64xf32> to vector<64xf32>
    %broadcast_in_dim3A_21 = vector.shape_cast %reduce_sum3A_20 : vector<64xf32> to vector<1x64xf32>
    %div3A_22 = arith.constant 1.000000e+04 : f32
    %div3A_23 = vector.broadcast %div3A_22 : f32 to vector<1x64xf32>
    %div3A_24 = arith.divf %broadcast_in_dim3A_21, %div3A_23 : vector<1x64xf32>
    %get3A_25 = arith.constant 0 : index
    %get3A_26 = arith.constant 0 : index
    %get3A_27 = vector.load %arg4[%get3A_25, %get3A_26] : memref<1x64xf32, #tpu.memory_space<vmem>>, vector<1x64xf32>
    %mul3A_28 = vector.broadcast %get3A_27 : vector<1x64xf32> to vector<10000x64xf32>
    %mul3A_29 = arith.mulf %mul3A_28, %sub3A_17 : vector<10000x64xf32>
    %add3A_30 = arith.constant 9.99999974E-6 : f32
    %add3A_31 = vector.broadcast %add3A_30 : f32 to vector<1x64xf32>
    %add3A_32 = arith.addf %div3A_24, %add3A_31 : vector<1x64xf32>
    %rsqrt3A = math.rsqrt %add3A_32 : vector<1x64xf32>
    %mul3A_33 = vector.broadcast %rsqrt3A : vector<1x64xf32> to vector<10000x64xf32>
    %mul3A_34 = arith.mulf %mul3A_29, %mul3A_33 : vector<10000x64xf32>
    %get3A_35 = arith.constant 0 : index
    %get3A_36 = arith.constant 0 : index
    %get3A_37 = vector.load %arg5[%get3A_35, %get3A_36] : memref<1x64xf32, #tpu.memory_space<vmem>>, vector<1x64xf32>
    %add3A_38 = vector.broadcast %get3A_37 : vector<1x64xf32> to vector<10000x64xf32>
    %add3A_39 = arith.addf %mul3A_34, %add3A_38 : vector<10000x64xf32>
    %max3A = arith.constant 0.000000e+00 : f32
    %max3A_40 = vector.broadcast %max3A : f32 to vector<10000x64xf32>
    %max3A_41 = arith.maximumf %add3A_39, %max3A_40 : vector<10000x64xf32>
    %iota3A = tpu.iota {dimensions = array<i32: 1>} : vector<1x64xi32>
    %get3A_42 = arith.constant 0 : index
    %get3A_43 = arith.constant 0 : index
    %get3A_44 = vector.load %arg6[%get3A_42, %get3A_43] : memref<10000x1xi32, #tpu.memory_space<vmem>>, vector<10000x1xi32>
    %eq3A = vector.broadcast %get3A_44 : vector<10000x1xi32> to vector<10000x64xi32>
    %eq3A_45 = vector.broadcast %iota3A : vector<1x64xi32> to vector<10000x64xi32>
    %eq3A_46 = arith.cmpi eq, %eq3A, %eq3A_45 : vector<10000x64xi32>
    %convert_element_type3A = arith.extui %eq3A_46 : vector<10000x64xi1> to vector<10000x64xi32>
    %convert_element_type3A_47 = arith.sitofp %convert_element_type3A : vector<10000x64xi32> to vector<10000x64xf32>
    %reduce_sum3A_48 = arith.constant dense<0.000000e+00> : vector<64xf32>
    %reduce_sum3A_49 = vector.multi_reduction <add>, %convert_element_type3A_47, %reduce_sum3A_48 [0] : vector<10000x64xf32> to vector<64xf32>
    %dot_general3A = arith.constant dense<0.000000e+00> : vector<64x64xf32>
    %dot_general3A_50 = tpu.matmul %convert_element_type3A_47, %max3A_41, %dot_general3A {dimension_numbers = #tpu.dot_dimension_numbers<[0], [0], [1], [1], [0, 1, 1, 1], [], []>, transpose_lhs_hint = false} : vector<10000x64xf32>, vector<10000x64xf32>, vector<64x64xf32> -> vector<64x64xf32>
    %max3A_51 = arith.constant 1.000000e+00 : f32
    %max3A_52 = vector.broadcast %max3A_51 : f32 to vector<64xf32>
    %max3A_53 = arith.maximumf %reduce_sum3A_49, %max3A_52 : vector<64xf32>
    %broadcast_in_dim3A_54 = vector.shape_cast %max3A_53 : vector<64xf32> to vector<64x1xf32>
    %div3A_55 = vector.broadcast %broadcast_in_dim3A_54 : vector<64x1xf32> to vector<64x64xf32>
    %div3A_56 = arith.divf %dot_general3A_50, %div3A_55 : vector<64x64xf32>
    %get3A_57 = arith.constant 0 : index
    %get3A_58 = arith.constant 0 : index
    %get3A_59 = vector.load %arg7[%get3A_57, %get3A_58] : memref<64x10xf32, #tpu.memory_space<vmem>>, vector<64x10xf32>
    %dot_general3A_60 = arith.constant dense<0.000000e+00> : vector<64x10xf32>
    %dot_general3A_61 = tpu.matmul %div3A_56, %get3A_59, %dot_general3A_60 {dimension_numbers = #tpu.dot_dimension_numbers<[1], [0], [0], [1], [0, 0, 1, 1], [], []>, transpose_lhs_hint = false} : vector<64x64xf32>, vector<64x10xf32>, vector<64x10xf32> -> vector<64x10xf32>
    %get3A_62 = arith.constant 0 : index
    %get3A_63 = arith.constant 0 : index
    %get3A_64 = vector.load %arg8[%get3A_62, %get3A_63] : memref<1x10xf32, #tpu.memory_space<vmem>>, vector<1x10xf32>
    %add3A_65 = vector.broadcast %get3A_64 : vector<1x10xf32> to vector<64x10xf32>
    %add3A_66 = arith.addf %dot_general3A_61, %add3A_65 : vector<64x10xf32>
    %reduce_max3A = arith.constant dense<0xFF800000> : vector<64xf32>
    %reduce_max3A_67 = vector.multi_reduction <maximumf>, %add3A_66, %reduce_max3A [1] : vector<64x10xf32> to vector<64xf32>
    %broadcast_in_dim3A_68 = vector.shape_cast %reduce_max3A_67 : vector<64xf32> to vector<64x1xf32>
    %sub3A_69 = vector.broadcast %broadcast_in_dim3A_68 : vector<64x1xf32> to vector<64x10xf32>
    %sub3A_70 = arith.subf %add3A_66, %sub3A_69 : vector<64x10xf32>
    %exp3A = math.exp %sub3A_70 : vector<64x10xf32>
    %reduce_sum3A_71 = arith.constant dense<0.000000e+00> : vector<64xf32>
    %reduce_sum3A_72 = vector.multi_reduction <add>, %exp3A, %reduce_sum3A_71 [1] : vector<64x10xf32> to vector<64xf32>
    %broadcast_in_dim3A_73 = vector.shape_cast %reduce_sum3A_72 : vector<64xf32> to vector<64x1xf32>
    %div3A_74 = vector.broadcast %broadcast_in_dim3A_73 : vector<64x1xf32> to vector<64x10xf32>
    %div3A_75 = arith.divf %exp3A, %div3A_74 : vector<64x10xf32>
    %swap3A = arith.constant 0 : index
    %swap3A_76 = arith.constant 0 : index
    %swap3A_77 = vector.load %arg9[%swap3A, %swap3A_76] : memref<64x10xf32, #tpu.memory_space<vmem>>, vector<64x10xf32>
    tpu.vector_store %arg9[%swap3A, %swap3A_76], %div3A_75 {strides = array<i32>} : memref<64x10xf32, #tpu.memory_space<vmem>>, vector<64x10xf32>,
    return
  }
}

</mosaic_0001>

<sc_bundles>
// kernel: kernel.12.cloned.1.call-start
scs
__scs_entry_jumppad:
0x0: {  	(pc) =	sbr.rel $0x88, $3  }
0x1: {  	(tag) =	ssettag $0x0;
	lr =	simm.s32 $0x1  }
0x2: {  	[smem:$0x3F8C] =	sst lr;
	_ =	strace $0xD0000000  }
0x3: {  	_ = 	snop  }
0x4: {  	_ = 	snop  }
0x5: {  	_ = 	snop  }
0x6: {  	_ = 	snop  }
0x7: {  	_ = 	snop  }
__scs_overlays_trampoline_lowered:
0x8: {  	[smem:$0x3F9B] =	sst s0  }
0x9: {  	[smem:$0x3F9C] =	sst s1  }
0xa: {  	[smem:$0x3F9D] =	sst s2  }
0xb: {  	[smem:$0x3F9E] =	sst s3  }
0xc: {  	[smem:$0x3F9F] =	sst s4  }
0xd: {  	[smem:$0x3FA0] =	sst s5  }
0xe: {  	[smem:$0x3FA1] =	sst s6  }
0xf: {  	[smem:$0x3FA2] =	sst s7  }
0x10: {  	[smem:$0x3FA3] =	sst s8  }
0x11: {  	[smem:$0x3FA4] =	sst s9;
	s0 =	simm.s32 @!p0 $0x0  }
0x12: {  	s1 =	sld [smem:$0x3F8A];
	s0 =	simm.s32 @p0 $0x1  }
0x13: {  	[smem:$0x3FA5] =	sst s0;
	s0 =	simm.s32 @!p1 $0x0  }
0x14: {  	s2 =	sld [smem:$0x3F89];
	s0 =	simm.s32 @p1 $0x1  }
0x15: {  	[smem:$0x3FA6] =	sst s0;
	s0 =	simm.s32 @!p2 $0x0  }
0x16: {  	s3 =	sld [smem:$0x3FDB];
	s0 =	simm.s32 @p2 $0x1  }
0x17: {  	s4 =	simm.s32 $0x1BF5;
	[smem:$0x3FA8] =	sst s0  }
0x18: {  	s0 =	sld [smem:$0x3F8B];
	_ =	swait.ge [sflag:s4], $0x0  }
0x19: {  	s7 =	sld [smem:$0x3F8C]  }
0x1a: {  	s8 =	sadd.s32 $0xFFFFE003, lr  }
0x1b: {  	s9 =	sadd.s32 $0xFFFFFEF7, lr;
	s5 =	simm.s32 $0xFFFFFFFF;
	p2 =	slt.u32 s8, $0xFFFFF086  }
0x1c: {  	p1 =	slt.u32 s9, $0xF7A;
	s5 =	simm.s32 @!p2 $0x0  }
0x1d: {  	s5 =	simm.s32 @p1 $0x1;
	p0 =	seq.s32 s7, s2  }
0x1e: {  	s7 =	smul.u32 @!p0 $0xF7A, s2;
	p2 =	seq.s32 @!p0 s5, $0x0  }
0x1f: {  	s9 =	smul.u32 $0xF7A, s1;
	s8 =	simm.s32 @!p0 $0x1BF5;
	p2 =	por !p2, p0  }
0x20: {  	[sflag:s8] =	ssyncset.s32 @!p0 $0xFFFFF086;
	s6 =	sadd.s32 @!p0 s3, s7;
	s7 =	simm.s32 @!p0 $0x108  }
0x21: {  	s3 =	sadd.s32 s3, s9;
	s6 =	sadd.s32 @!p0 $0x88, s6;
	s7 =	simm.s32 @p2 $0x1082  }
0x22: {  	[simem:s7], [sflag:s8] =	dma.local @!p0 [hbm:s6], $0xF7A  }
0x23: {  	s9 =	sor.u32 $0xD0000000, s2;
	s6 =	simm.s32 $0x108;
	_ =	swait.ge @!p0 [sflag:s8], $0x0  }
0x24: {  	s3 =	sadd.s32 $0x88, s3;
	s6 =	simm.s32 @!p1 $0x1082;
	[sflag:s4] =	ssyncset.s32 $0xFFFFF086  }
0x25: {  	[simem:s6], [sflag:s4] =	dma.local [hbm:s3], $0xF7A  }
0x26: {  	[smem:$0x3F8C] =	sst s1;
	(tag) =	ssettag s2;
	_ =	strace s9  }
0x27: {  	s1 =	sld [smem:$0x3F9C]  }
0x28: {  	s2 =	sld [smem:$0x3F9D]  }
0x29: {  	s4 =	sld [smem:$0x3F9F]  }
0x2a: {  	p0 =	seq.s32 s5, $0x0;
	s5 =	sld [smem:$0x3FA0]  }
0x2b: {  	s6 =	sld [smem:$0x3FA1]  }
0x2c: {  	s7 =	sld [smem:$0x3FA2]  }
0x2d: {  	s3 =	simm.s32 $0x108;
	s8 =	sld [smem:$0x3FA3]  }
0x2e: {  	s3 =	simm.s32 @!p0 $0x1082;
	s9 =	sld [smem:$0x3FA4]  }
0x2f: {  	lr =	sadd.s32 s0, s3;
	s0 =	sld [smem:$0x3F9B]  }
0x30: {  	s3 =	sld [smem:$0x3F9E]  }
0x31: {  	[smem:$0x3FA7] =	sst s10  }
0x32: {  	s10 =	sld [smem:$0x3FA5];
	_ =	sdelay $0x3  }
0x33: {  	p0 =	seq.s32 s10, $0x1;
	s10 =	sld [smem:$0x3FA7];
	_ =	sdelay $0x3  }
0x34: {  	[smem:$0x3FA7] =	sst s10  }
0x35: {  	s10 =	sld [smem:$0x3FA6];
	_ =	sdelay $0x3  }
0x36: {  	p1 =	seq.s32 s10, $0x1;
	s10 =	sld [smem:$0x3FA7];
	_ =	sdelay $0x3  }
0x37: {  	[smem:$0x3FA7] =	sst s10  }
0x38: {  	s10 =	sld [smem:$0x3FA8]  }
0x39: {  	_ = 	snop;
	(pc) =	sbr.ind lr, $3  }
0x3a: {  	_ = 	snop  }
0x3b: {  	_ = 	snop  }
0x3c: {  	p2 =	seq.s32 s10, $0x1;
	s10 =	sld [smem:$0x3FA7]  }
0x3d: {  	_ =	shalt  }
0x3e: {  	_ =	shalt  }
0x3f: {  	_ =	shalt  }
0x40: {  	_ =	shalt  }
0x41: {  	_ =	shalt  }
0x42: {  	_ =	shalt  }
0x43: {  	_ =	shalt  }
0x44: {  	_ =	shalt  }
0x45: {  	_ =	shalt  }
0x46: {  	_ =	shalt  }
0x47: {  	_ =	shalt  }
0x48: {  	_ =	shalt  }
0x49: {  	_ =	shalt  }
0x4a: {  	_ =	shalt  }
0x4b: {  	_ =	shalt  }
0x4c: {  	_ =	shalt  }
0x4d: {  	_ =	shalt  }
0x4e: {  	_ =	shalt  }
0x4f: {  	_ =	shalt  }
0x50: {  	_ =	shalt  }
0x51: {  	_ =	shalt  }
0x52: {  	_ =	shalt  }
0x53: {  	_ =	shalt  }
0x54: {  	_ =	shalt  }
0x55: {  	_ =	shalt  }
0x56: {  	_ =	shalt  }
0x57: {  	_ =	shalt  }
0x58: {  	_ =	shalt  }
0x59: {  	_ =	shalt  }
0x5a: {  	_ =	shalt  }
0x5b: {  	_ =	shalt  }
0x5c: {  	_ =	shalt  }
0x5d: {  	_ =	shalt  }
0x5e: {  	_ =	shalt  }
0x5f: {  	_ =	shalt  }
0x60: {  	_ =	shalt  }
0x61: {  	_ =	shalt  }
0x62: {  	_ =	shalt  }
0x63: {  	_ =	shalt  }
0x64: {  	_ =	shalt  }
0x65: {  	_ =	shalt  }
0x66: {  	_ =	shalt  }
0x67: {  	_ =	shalt  }
0x68: {  	_ =	shalt  }
0x69: {  	_ =	shalt  }
0x6a: {  	_ =	shalt  }
0x6b: {  	_ =	shalt  }
0x6c: {  	_ =	shalt  }
0x6d: {  	_ =	shalt  }
0x6e: {  	_ =	shalt  }
0x6f: {  	_ =	shalt  }
0x70: {  	_ =	shalt  }
0x71: {  	_ =	shalt  }
0x72: {  	_ =	shalt  }
0x73: {  	_ =	shalt  }
0x74: {  	_ =	shalt  }
0x75: {  	_ =	shalt  }
0x76: {  	_ =	shalt  }
0x77: {  	_ =	shalt  }
0x78: {  	_ =	shalt  }
0x79: {  	_ =	shalt  }
0x7a: {  	_ =	shalt  }
0x7b: {  	_ =	shalt  }
0x7c: {  	_ =	shalt  }
0x7d: {  	_ =	shalt  }
0x7e: {  	_ =	shalt  }
0x7f: {  	_ =	shalt  }
0x80: {  	_ =	shalt  }
0x81: {  	_ =	shalt  }
0x82: {  	_ =	shalt  }
0x83: {  	_ =	shalt  }
0x84: {  	_ =	shalt  }
0x85: {  	_ =	shalt  }
0x86: {  	_ =	shalt  }
0x87: {  	_ =	shalt  }
.Lfunc_end0:
.L_simem_size_0:
called_computation_lowered:
.L_overlay_start_0:
0x88: {  	s2 =	sld [smem:$0x3FD9]  }
0x89: {  	s3 =	sld [smem:$0x3FFE];
	_ =	sdelay $0x1  }
0x8a: {  	s1 =	srdreg.scid  }
0x8b: {  	s0 =	sand.u32 $0x1, s1  }
0x8c: {  	s16 =	sshll.u32 s0, $0xA;
	s2 =	sadd.s32 s3, s2  }
0x8d: {  	s2 =	sadd.s32 s2, s16  }
0x8e: {  	[smem:$0x3FB3] =	sst s2  }
0x8f: {  	_ = 	snop  }
0x90: {  	(tm) =	ssettm $0x1  }
0x91: {  	s17 =	sld [smem:$0x3FFB];
	_ =	sdelay $0x3  }
0x92: {  	_ =	strace s17  }
0x93: {  	s2 =	sld [smem:$0x3FFC];
	_ =	sdelay $0x3  }
0x94: {  	_ =	strace s2  }
0x95: {  	s2 =	sld [smem:$0x3FFD];
	_ =	sdelay $0x3  }
0x96: {  	_ =	strace s2  }
0x97: {  	_ =	strace $0x8FFFFFFF  }
0x98: {  	s18 =	sld [smem:$0x3FDB];
	_ =	sdelay $0x1  }
0x99: {  	s19 =	simm.s32 $_scs_section_size  }
0x9a: {  	s4 =	simm.s32 $_size__tile_overlayer_lowered;
	s5 =	simm.s32 $_tile_overlayer_lowered  }
0x9b: {  	s22 =	simm.s32 $0x1BFF;
	s21 =	sshll.u32 s5, $0x1;
	s2 =	sadd.s32 s19, s18  }
0x9c: {  	s6 =	simm.s32 $0x0;
	s20 =	sshll.u32 s4, $0x1;
	s4 =	sadd.s32 s21, s2  }
0x9d: {  	[timem:s6], [sflag:s22] =	dma.local [hbm:s4], s20  }
0x9e: {  	_ =	swait.ge [sflag:s22], s20  }
0x9f: {  	s3 =	ssub.s32 $0x0, s20;
	[sflag:s22] =	ssyncset.done $0x0  }
0xa0: {  	[sflag:s22] =	ssyncadd.s32 s3;
	_ =	sdelay $0x1  }
0xa1: {  	s23 =	simm.s32 $0x1B8B  }
0xa2: {  	_ =	swait.ge [sflag:s23], $0x1  }
0xa3: {  	[sflag:s23] =	ssyncset.done $0x0  }
0xa4: {  	s25 =	simm.s32 $0x1B8E;
	s24 =	sld [smem:$0x3FFE];
	[sflag:s23] =	ssyncadd.s32 $0xFFFFFFFF  }
0xa5: {  	s26 =	simm.s32 $execute0_lowered;
	[smem:$0x3FD2] =	sst s25  }
0xa6: {  	s4 =	sshll.u32 s26, $0x1;
	_ =	strace $0x80000046;
	[dreg:$0x1] =	wrdreg $0xFFFFFFFF  }
0xa7: {  	s28 =	simm.s32 $_size_execute0_lowered;
	s2 =	sadd.s32 s2, s4;
	[dreg:$0x0] =	wrdreg $0x0  }
0xa8: {  	s4 =	sshll.u32 s28, $0x1;
	[dreg:$0x2] =	wrdreg s2  }
0xa9: {  	[dreg:$0x3] =	wrdreg s4  }
0xaa: {  	[dreg:$0x4] =	wrdreg $0xC0  }
0xab: {  	_ =	task [dreg:s6], $0x5FFFF  }
0xac: {  	[dreg:$0x1] =	wrdreg $0xFFFFFFFF  }
0xad: {  	[dreg:$0x0] =	wrdreg $0x60  }
0xae: {  	[dreg:$0x2] =	wrdreg s24  }
0xaf: {  	[dreg:$0x3] =	wrdreg $0x2C800  }
0xb0: {  	[dreg:$0x4] =	wrdreg $0x9  }
0xb1: {  	_ =	task.clear_ibuf [dreg:s6], $0x5FFFF;
	_ =	strace $0x90000046  }
0xb2: {  	s29 =	simm.s32 $0x9;
	_ =	strace $0x80000048  }
0xb3: {  	_ =	swait.ge [sflag:s29], $0x1  }
0xb4: {  	[sflag:s29] =	ssyncadd.s32 $0xFFFFFFFF  }
0xb5: {  	_ =	strace $0x90000048  }
0xb6: {  	_ =	sfence  }
0xb7: {  	s30 =	sld [smem:$0x0];
	_ =	sdelay $0x2  }
0xb8: {  	s31 =	sshll.u32 s1, $0xD;
	s1 =	sshrl.u32 s1, $0x2  }
0xb9: {  	s3 =	sand.u32 $0x4000, s31;
	s1 =	sadd.s32 s1, s30  }
0xba: {  	s0 =	sor.u32 s3, s0;
	s1 =	sshll.u32 s1, $0x11  }
0xbb: {  	s0 =	sor.u32 s1, s0  }
0xbc: {  	s0 =	sadd.s32 $0x8F2B, s0  }
0xbd: {  	[sflag:s0] =	ssyncadd.remote.s32 $0x1  }
0xbe: {  	_ =	sfence.sel $0xFFFF  }
0xbf: {  	[dreg:$0x0] =	wrdreg $0xFFFFFFFF;
	(pc) =	sbr.abs _section_cstart, $3  }
0xc0: {  	[dreg:$0x1] =	wrdreg $0xFFFFFFFF  }
0xc1: {  	_ =	task.clear_ibuf [dreg:s6], $0x2FFFF;
	_ =	strace $0x9FFFFFFF  }
0xc2: {  	(tm) =	ssettm $0x7FFFFFFF  }
0xc3: {  	_ =	shalt  }
tec
execute0_lowered:
.L_overlay_start_1:
0x0: {  	(tag) =	ssettag $0x1  }
0x1: {  	s1 =	srdreg.scid;
	s5 =	rddreg [dreg:$0x0]  }
0x2: {  	s0 =	stileid.u32;
	s2 =	rddreg [dreg:$0x1];
	s3 =	simm.s32 $0x0  }
0x3: {  	s12 =	simm.s32 $0x2C00;
	s13 =	simm.s32 $0x20;
	s14 =	simm.s32 $0x10  }
0x4: {  	s15 =	simm.s32 $0x0;
	s4 =	sand.u32 $0x1, s1;
	s7 =	smul.u32 $0x500, s0  }
0x5: {  	s28 =	sshll.u32 s0, $0x1;
	[smem:$0x7FF] =	sst s3;
	s8 =	smul.u32 $0x280, s0  }
0x6: {  	s31 =	sshll.u32 s0, $0x6;
	s1 =	sor.u32 s4, s28;
	s9 =	sshll.u32 s4, $0x7  }
0x7: {  	s4 =	ssub.s32 $0x2, s4;
	s6 =	smul.u32 $0x580, s1;
	s1 =	rddreg [dreg:$0x2]  }
0x8: {  	_ =	strace $0x80000047;
	s7 =	sor.u32 s9, s7;
	s29 =	sshrl.u32 s8, $0x3  }
0x9: {  	s30 =	sshrl.u32 s4, $0x1;
	s11 =	sadd.s32 s8, s2;
	s7 =	sshrl.u32 s7, $0x3  }
0xa: {  	s9 =	sadd.s32 s29, s5;
	s10 =	ssub.s32 s4, s30;
	s6 =	sadd.s32 s6, s5  }
0xb: {  	s7 =	sadd.s32 s7, s5;
	s4 =	sadd.s32 $0xF200, s9;
	s5 =	sor.u32 $0x1C01, s31  }
0xc: {  	s8 =	smax.u32 s10, $0x1;
	s9 =	sshrl.u32 s11, $0x3;
	s10 =	simm.s32 $0x1  }
0xd: {  	v0 =	vimm.f32 $1.000000000e+00;
	s11 =	simm.s32 $0x80;
	s6 =	sadd.s32 $0x4200, s6;
	s7 =	sadd.s32 $0xF800, s7  }
.LBB2_1:
0xe: {  	[tilespmem:$0x2C00] =	vst v0  }
0xf: {  	[tilespmem:$0x2C10] =	vst v0  }
0x10: {  	[tilespmem:$0x2C20] =	vst v0  }
0x11: {  	[tilespmem:$0x2C30] =	vst v0  }
0x12: {  	[tilespmem:$0x2C40] =	vst v0  }
0x13: {  	[tilespmem:$0x2C50] =	vst v0  }
0x14: {  	[tilespmem:$0x2C60] =	vst v0  }
0x15: {  	[tilespmem:$0x2C70] =	vst v0  }
0x16: {  	[spmem:s9], [sflag:s5] =	dma.local [hbm:s4], $0x50  }
0x17: {  	_ =	swait.ge [sflag:s10], $0x50  }
0x18: {  	[sflag:s10] =	ssyncset.done $0x0  }
0x19: {  	[sflag:s10] =	ssyncadd.s32 $0xFFFFFFB0  }
0x1a: {  	[tilespmem:s3], [sflag:$0x1] =	stream.linear.gather [hbm4b:s6+s3], $0x2880, $0x38;
	[tilespmem:$0x2F00] =	vst v63  }
0x1b: {  	_ =	swait.ge [sflag:s10], $0x2880  }
0x1c: {  	[sflag:s10] =	ssyncset.done $0x0  }
0x1d: {  	[sflag:s10] =	ssyncadd.s32 $0xFFFFD780  }
0x1e: {  	s16 =	simm.s32 $0x0;
	[bflag:$0x0] =	sbarrier.arrive $0xFFFF  }
0x1f: {  	[spmem:s2] =	stream.indirect.scatter.add.f32 [tilespmem:s12], [sflag:$0x1], $0x1, s16, s11, $0xb8;
	[tilespmem:$0x2F00] =	vst v63  }
0x20: {  	_ =	swait.ge [sflag:s10], $0x80  }
0x21: {  	s16 =	simm.s32 $0x200;
	[sflag:s10] =	ssyncset.done $0x0  }
.LBB2_2:
0x22: {  	s17 =	sshra.s32 s16, $0x2;
	[sflag:s10] =	ssyncadd.s32 $0xFFFFFF80;
	p0 =	sne.s32 s16, $0xA000  }
0x23: {  	[spmem:s2] =	stream.indirect.scatter.add.f32 [tilespmem:s12], [sflag:$0x1], $0x1, s17, s11, $0xb8;
	[tilespmem:$0x2F00] =	vst v63  }
.Ltmp0:
0x24: {  	_ = 	snop;
	(pc) =	sbr.rel @p0 .LBB2_2-.Ltmp0, $4  }
0x25: {  	_ = 	snop  }
0x26: {  	s16 =	sadd.s32 $0x200, s16  }
0x27: {  	_ =	swait.ge [sflag:s10], $0x80  }
0x28: {  	[sflag:s10] =	ssyncset.done $0x0  }
0x29: {  	s15 =	sadd.s32 $0x1, s15  }
0x2a: {  	[sflag:s10] =	ssyncadd.s32 $0xFFFFFF80;
	p0 =	sne.s32 s15, s8  }
.Ltmp1:
0x2b: {  	[bflag:$0x0] =	sbarrier.arrive $0xFFFF;
	(pc) =	sbr.rel @p0 .LBB2_1-.Ltmp1, $4  }
0x2c: {  	[hbm:s7@s13], [sflag:s5] =	dma.strided [spmem:s9@s14], $0x50, s10, $0x10   }
0x2d: {  	_ =	swait.ge [sflag:s10], $0x50  }
0x2e: {  	[sflag:s10] =	ssyncset.done $0x0  }
0x2f: {  	[sflag:s10] =	ssyncadd.s32 $0xFFFFFFB0  }
0x30: {  	_ =	sfence.sel $0x180000  }
0x31: {  	[bflag:$0x0] =	sbarrier.arrive $0xFFFF  }
0x32: {  	p0 =	sne.s32 s0, $0x0;
	_ =	strace $0x90000047  }
0x33: {  	s0 =	sadd.s32 @!p0 $0x100000, s1;
	[bflag:$0x2] =	sbarrier.arrive $0xFFFF  }
0x34: {  	[sflag:s0] =	ssyncadd.tile.s32 @!p0 $0x1;
	_ =	shalt  }
.Lfunc_end2:
_tile_overlayer_lowered:
.L_overlay_start_2:
0x35: {  	(tag) =	ssettag $0x2  }
0x36: {  	s0 =	rddreg [dreg:$0x0];
	s2 =	stileid.u32  }
0x37: {  	s1 =	rddreg [dreg:$0x1];
	p0 =	sne.s32 s2, $0x0  }
0x38: {  	s3 =	rddreg [dreg:$0x2];
	[bflag:$0x3] =	sbarrier.arrive $0xFFFF;
	s2 =	simm.s32 @!p0 $0x1C01  }
0x39: {  	[timem:s3], [sflag:s2] =	dma.local @!p0 [hbm:s0], s1  }
0x3a: {  	s0 =	simm.s32 @!p0 $0x1  }
0x3b: {  	_ =	swait.ge @!p0 [sflag:s0], s1  }
0x3c: {  	s1 =	ssub.s32 @!p0 $0x0, s1;
	[sflag:s0] =	ssyncset.done @!p0 $0x0  }
0x3d: {  	[sflag:s0] =	ssyncadd.s32 @!p0 s1  }
0x3e: {  	[bflag:$0x3] =	sbarrier.arrive $0xFFFF  }
0x3f: {  	_ =	shalt  }

// kernel: kernel.15.cloned.1.call-start
scs
__scs_entry_jumppad:
0x0: {  	(pc) =	sbr.rel $0x88, $3  }
0x1: {  	(tag) =	ssettag $0x0;
	lr =	simm.s32 $0x1  }
0x2: {  	[smem:$0x3F8C] =	sst lr;
	_ =	strace $0xD0000000  }
0x3: {  	_ = 	snop  }
0x4: {  	_ = 	snop  }
0x5: {  	_ = 	snop  }
0x6: {  	_ = 	snop  }
0x7: {  	_ = 	snop  }
__scs_overlays_trampoline_lowered:
0x8: {  	[smem:$0x3F9B] =	sst s0  }
0x9: {  	[smem:$0x3F9C] =	sst s1  }
0xa: {  	[smem:$0x3F9D] =	sst s2  }
0xb: {  	[smem:$0x3F9E] =	sst s3  }
0xc: {  	[smem:$0x3F9F] =	sst s4  }
0xd: {  	[smem:$0x3FA0] =	sst s5  }
0xe: {  	[smem:$0x3FA1] =	sst s6  }
0xf: {  	[smem:$0x3FA2] =	sst s7  }
0x10: {  	[smem:$0x3FA3] =	sst s8  }
0x11: {  	[smem:$0x3FA4] =	sst s9;
	s0 =	simm.s32 @!p0 $0x0  }
0x12: {  	s1 =	sld [smem:$0x3F8A];
	s0 =	simm.s32 @p0 $0x1  }
0x13: {  	[smem:$0x3FA5] =	sst s0;
	s0 =	simm.s32 @!p1 $0x0  }
0x14: {  	s2 =	sld [smem:$0x3F89];
	s0 =	simm.s32 @p1 $0x1  }
0x15: {  	[smem:$0x3FA6] =	sst s0;
	s0 =	simm.s32 @!p2 $0x0  }
0x16: {  	s3 =	sld [smem:$0x3FDB];
	s0 =	simm.s32 @p2 $0x1  }
0x17: {  	s4 =	simm.s32 $0x1BF5;
	[smem:$0x3FA8] =	sst s0  }
0x18: {  	s0 =	sld [smem:$0x3F8B];
	_ =	swait.ge [sflag:s4], $0x0  }
0x19: {  	s7 =	sld [smem:$0x3F8C]  }
0x1a: {  	s8 =	sadd.s32 $0xFFFFE003, lr  }
0x1b: {  	s9 =	sadd.s32 $0xFFFFFEF7, lr;
	s5 =	simm.s32 $0xFFFFFFFF;
	p2 =	slt.u32 s8, $0xFFFFF086  }
0x1c: {  	p1 =	slt.u32 s9, $0xF7A;
	s5 =	simm.s32 @!p2 $0x0  }
0x1d: {  	s5 =	simm.s32 @p1 $0x1;
	p0 =	seq.s32 s7, s2  }
0x1e: {  	s7 =	smul.u32 @!p0 $0xF7A, s2;
	p2 =	seq.s32 @!p0 s5, $0x0  }
0x1f: {  	s9 =	smul.u32 $0xF7A, s1;
	s8 =	simm.s32 @!p0 $0x1BF5;
	p2 =	por !p2, p0  }
0x20: {  	[sflag:s8] =	ssyncset.s32 @!p0 $0xFFFFF086;
	s6 =	sadd.s32 @!p0 s3, s7;
	s7 =	simm.s32 @!p0 $0x108  }
0x21: {  	s3 =	sadd.s32 s3, s9;
	s6 =	sadd.s32 @!p0 $0x88, s6;
	s7 =	simm.s32 @p2 $0x1082  }
0x22: {  	[simem:s7], [sflag:s8] =	dma.local @!p0 [hbm:s6], $0xF7A  }
0x23: {  	s9 =	sor.u32 $0xD0000000, s2;
	s6 =	simm.s32 $0x108;
	_ =	swait.ge @!p0 [sflag:s8], $0x0  }
0x24: {  	s3 =	sadd.s32 $0x88, s3;
	s6 =	simm.s32 @!p1 $0x1082;
	[sflag:s4] =	ssyncset.s32 $0xFFFFF086  }
0x25: {  	[simem:s6], [sflag:s4] =	dma.local [hbm:s3], $0xF7A  }
0x26: {  	[smem:$0x3F8C] =	sst s1;
	(tag) =	ssettag s2;
	_ =	strace s9  }
0x27: {  	s1 =	sld [smem:$0x3F9C]  }
0x28: {  	s2 =	sld [smem:$0x3F9D]  }
0x29: {  	s4 =	sld [smem:$0x3F9F]  }
0x2a: {  	p0 =	seq.s32 s5, $0x0;
	s5 =	sld [smem:$0x3FA0]  }
0x2b: {  	s6 =	sld [smem:$0x3FA1]  }
0x2c: {  	s7 =	sld [smem:$0x3FA2]  }
0x2d: {  	s3 =	simm.s32 $0x108;
	s8 =	sld [smem:$0x3FA3]  }
0x2e: {  	s3 =	simm.s32 @!p0 $0x1082;
	s9 =	sld [smem:$0x3FA4]  }
0x2f: {  	lr =	sadd.s32 s0, s3;
	s0 =	sld [smem:$0x3F9B]  }
0x30: {  	s3 =	sld [smem:$0x3F9E]  }
0x31: {  	[smem:$0x3FA7] =	sst s10  }
0x32: {  	s10 =	sld [smem:$0x3FA5];
	_ =	sdelay $0x3  }
0x33: {  	p0 =	seq.s32 s10, $0x1;
	s10 =	sld [smem:$0x3FA7];
	_ =	sdelay $0x3  }
0x34: {  	[smem:$0x3FA7] =	sst s10  }
0x35: {  	s10 =	sld [smem:$0x3FA6];
	_ =	sdelay $0x3  }
0x36: {  	p1 =	seq.s32 s10, $0x1;
	s10 =	sld [smem:$0x3FA7];
	_ =	sdelay $0x3  }
0x37: {  	[smem:$0x3FA7] =	sst s10  }
0x38: {  	s10 =	sld [smem:$0x3FA8]  }
0x39: {  	_ = 	snop;
	(pc) =	sbr.ind lr, $3  }
0x3a: {  	_ = 	snop  }
0x3b: {  	_ = 	snop  }
0x3c: {  	p2 =	seq.s32 s10, $0x1;
	s10 =	sld [smem:$0x3FA7]  }
0x3d: {  	_ =	shalt  }
0x3e: {  	_ =	shalt  }
0x3f: {  	_ =	shalt  }
0x40: {  	_ =	shalt  }
0x41: {  	_ =	shalt  }
0x42: {  	_ =	shalt  }
0x43: {  	_ =	shalt  }
0x44: {  	_ =	shalt  }
0x45: {  	_ =	shalt  }
0x46: {  	_ =	shalt  }
0x47: {  	_ =	shalt  }
0x48: {  	_ =	shalt  }
0x49: {  	_ =	shalt  }
0x4a: {  	_ =	shalt  }
0x4b: {  	_ =	shalt  }
0x4c: {  	_ =	shalt  }
0x4d: {  	_ =	shalt  }
0x4e: {  	_ =	shalt  }
0x4f: {  	_ =	shalt  }
0x50: {  	_ =	shalt  }
0x51: {  	_ =	shalt  }
0x52: {  	_ =	shalt  }
0x53: {  	_ =	shalt  }
0x54: {  	_ =	shalt  }
0x55: {  	_ =	shalt  }
0x56: {  	_ =	shalt  }
0x57: {  	_ =	shalt  }
0x58: {  	_ =	shalt  }
0x59: {  	_ =	shalt  }
0x5a: {  	_ =	shalt  }
0x5b: {  	_ =	shalt  }
0x5c: {  	_ =	shalt  }
0x5d: {  	_ =	shalt  }
0x5e: {  	_ =	shalt  }
0x5f: {  	_ =	shalt  }
0x60: {  	_ =	shalt  }
0x61: {  	_ =	shalt  }
0x62: {  	_ =	shalt  }
0x63: {  	_ =	shalt  }
0x64: {  	_ =	shalt  }
0x65: {  	_ =	shalt  }
0x66: {  	_ =	shalt  }
0x67: {  	_ =	shalt  }
0x68: {  	_ =	shalt  }
0x69: {  	_ =	shalt  }
0x6a: {  	_ =	shalt  }
0x6b: {  	_ =	shalt  }
0x6c: {  	_ =	shalt  }
0x6d: {  	_ =	shalt  }
0x6e: {  	_ =	shalt  }
0x6f: {  	_ =	shalt  }
0x70: {  	_ =	shalt  }
0x71: {  	_ =	shalt  }
0x72: {  	_ =	shalt  }
0x73: {  	_ =	shalt  }
0x74: {  	_ =	shalt  }
0x75: {  	_ =	shalt  }
0x76: {  	_ =	shalt  }
0x77: {  	_ =	shalt  }
0x78: {  	_ =	shalt  }
0x79: {  	_ =	shalt  }
0x7a: {  	_ =	shalt  }
0x7b: {  	_ =	shalt  }
0x7c: {  	_ =	shalt  }
0x7d: {  	_ =	shalt  }
0x7e: {  	_ =	shalt  }
0x7f: {  	_ =	shalt  }
0x80: {  	_ =	shalt  }
0x81: {  	_ =	shalt  }
0x82: {  	_ =	shalt  }
0x83: {  	_ =	shalt  }
0x84: {  	_ =	shalt  }
0x85: {  	_ =	shalt  }
0x86: {  	_ =	shalt  }
0x87: {  	_ =	shalt  }
.Lfunc_end0:
.L_simem_size_0:
called_computation.1_lowered:
.L_overlay_start_0:
0x88: {  	s2 =	sld [smem:$0x3FD9]  }
0x89: {  	s3 =	sld [smem:$0x3FFE];
	_ =	sdelay $0x1  }
0x8a: {  	s1 =	srdreg.scid  }
0x8b: {  	s0 =	sand.u32 $0x1, s1  }
0x8c: {  	s16 =	sshll.u32 s0, $0xA;
	s2 =	sadd.s32 s3, s2  }
0x8d: {  	s2 =	sadd.s32 s2, s16  }
0x8e: {  	[smem:$0x3FB3] =	sst s2  }
0x8f: {  	_ = 	snop  }
0x90: {  	(tm) =	ssettm $0x1  }
0x91: {  	s17 =	sld [smem:$0x3FFB];
	_ =	sdelay $0x3  }
0x92: {  	_ =	strace s17  }
0x93: {  	s2 =	sld [smem:$0x3FFC];
	_ =	sdelay $0x3  }
0x94: {  	_ =	strace s2  }
0x95: {  	s2 =	sld [smem:$0x3FFD];
	_ =	sdelay $0x3  }
0x96: {  	_ =	strace s2  }
0x97: {  	_ =	strace $0x8FFFFFFF  }
0x98: {  	s18 =	sld [smem:$0x3FDB];
	_ =	sdelay $0x1  }
0x99: {  	s19 =	simm.s32 $_scs_section_size  }
0x9a: {  	s4 =	simm.s32 $_size__tile_overlayer_lowered;
	s5 =	simm.s32 $_tile_overlayer_lowered  }
0x9b: {  	s22 =	simm.s32 $0x1BFF;
	s21 =	sshll.u32 s5, $0x1;
	s2 =	sadd.s32 s19, s18  }
0x9c: {  	s6 =	simm.s32 $0x0;
	s20 =	sshll.u32 s4, $0x1;
	s4 =	sadd.s32 s21, s2  }
0x9d: {  	[timem:s6], [sflag:s22] =	dma.local [hbm:s4], s20  }
0x9e: {  	_ =	swait.ge [sflag:s22], s20  }
0x9f: {  	s3 =	ssub.s32 $0x0, s20;
	[sflag:s22] =	ssyncset.done $0x0  }
0xa0: {  	[sflag:s22] =	ssyncadd.s32 s3;
	_ =	sdelay $0x1  }
0xa1: {  	s23 =	simm.s32 $0x1B8B  }
0xa2: {  	_ =	swait.ge [sflag:s23], $0x1  }
0xa3: {  	[sflag:s23] =	ssyncset.done $0x0  }
0xa4: {  	s25 =	simm.s32 $0x1B8E;
	s24 =	sld [smem:$0x3FFE];
	[sflag:s23] =	ssyncadd.s32 $0xFFFFFFFF  }
0xa5: {  	s26 =	simm.s32 $execute0_lowered;
	[smem:$0x3FD2] =	sst s25  }
0xa6: {  	s4 =	sshll.u32 s26, $0x1;
	_ =	strace $0x80000049;
	[dreg:$0x1] =	wrdreg $0xFFFFFFFF  }
0xa7: {  	s28 =	simm.s32 $_size_execute0_lowered;
	s2 =	sadd.s32 s2, s4;
	[dreg:$0x0] =	wrdreg $0x0  }
0xa8: {  	s4 =	sshll.u32 s28, $0x1;
	[dreg:$0x2] =	wrdreg s2  }
0xa9: {  	[dreg:$0x3] =	wrdreg s4  }
0xaa: {  	[dreg:$0x4] =	wrdreg $0xC0  }
0xab: {  	_ =	task [dreg:s6], $0x5FFFF  }
0xac: {  	[dreg:$0x1] =	wrdreg $0xFFFFFFFF  }
0xad: {  	[dreg:$0x0] =	wrdreg $0x60  }
0xae: {  	[dreg:$0x2] =	wrdreg s24  }
0xaf: {  	[dreg:$0x3] =	wrdreg $0xA0000  }
0xb0: {  	[dreg:$0x4] =	wrdreg $0x9  }
0xb1: {  	_ =	task.clear_ibuf [dreg:s6], $0x5FFFF;
	_ =	strace $0x90000049  }
0xb2: {  	s29 =	simm.s32 $0x9;
	_ =	strace $0x8000004B  }
0xb3: {  	_ =	swait.ge [sflag:s29], $0x1  }
0xb4: {  	[sflag:s29] =	ssyncadd.s32 $0xFFFFFFFF  }
0xb5: {  	_ =	strace $0x9000004B  }
0xb6: {  	_ =	sfence  }
0xb7: {  	s30 =	sld [smem:$0x0];
	_ =	sdelay $0x2  }
0xb8: {  	s31 =	sshll.u32 s1, $0xD;
	s1 =	sshrl.u32 s1, $0x2  }
0xb9: {  	s3 =	sand.u32 $0x4000, s31;
	s1 =	sadd.s32 s1, s30  }
0xba: {  	s0 =	sor.u32 s3, s0;
	s1 =	sshll.u32 s1, $0x11  }
0xbb: {  	s0 =	sor.u32 s1, s0  }
0xbc: {  	s0 =	sadd.s32 $0x8F2B, s0  }
0xbd: {  	[sflag:s0] =	ssyncadd.remote.s32 $0x1  }
0xbe: {  	_ =	sfence.sel $0xFFFF  }
0xbf: {  	[dreg:$0x0] =	wrdreg $0xFFFFFFFF;
	(pc) =	sbr.abs _section_cstart, $3  }
0xc0: {  	[dreg:$0x1] =	wrdreg $0xFFFFFFFF  }
0xc1: {  	_ =	task.clear_ibuf [dreg:s6], $0x2FFFF;
	_ =	strace $0x9FFFFFFF  }
0xc2: {  	(tm) =	ssettm $0x7FFFFFFF  }
0xc3: {  	_ =	shalt  }
tec
execute0_lowered:
.L_overlay_start_1:
0x0: {  	(tag) =	ssettag $0x1  }
0x1: {  	s5 =	rddreg [dreg:$0x0]  }
0x2: {  	s0 =	srdreg.scid;
	s2 =	rddreg [dreg:$0x1]  }
0x3: {  	s1 =	rddreg [dreg:$0x2];
	s6 =	sand.u32 $0x1, s0  }
0x4: {  	s3 =	simm.s32 $0x0;
	s0 =	stileid.u32;
	s4 =	smul.u32 $0x30000, s6  }
0x5: {  	s14 =	simm.s32 $0x80;
	s15 =	simm.s32 $0x6000;
	s7 =	smul.u32 $0x3000, s0  }
0x6: {  	s16 =	simm.s32 $0x1;
	[smem:$0x7FF] =	sst s3;
	s26 =	smul.u32 $0x14000, s0  }
0x7: {  	s17 =	simm.s32 $0x0;
	s9 =	smul.u32 $0x140000, s6;
	_ =	strace $0x8000004A  }
0x8: {  	s29 =	ssub.s32 $0x2, s6;
	s12 =	smul.u32 $0x50000, s0;
	p0 =	seq.s32 s6, $0x0  }
0x9: {  	s31 =	sshll.u32 s0, $0x6;
	s11 =	sshrl.u32 s29, $0x1;
	s4 =	sadd.s32 s7, s4  }
0xa: {  	s28 =	sshrl.u32 s26, $0x3;
	s7 =	sadd.s32 s26, s9;
	s11 =	ssub.s32 s29, s11  }
0xb: {  	s30 =	sshrl.u32 s12, $0x2;
	s8 =	sshrl.u32 s4, $0x3;
	s4 =	sadd.s32 $0x28200, s5  }
0xc: {  	s7 =	sshrl.u32 s7, $0x3;
	s12 =	sadd.s32 s30, s2;
	s11 =	smax.u32 s11, $0x1  }
0xd: {  	s10 =	sadd.s32 s8, s5;
	s8 =	sadd.s32 s28, s5;
	s13 =	sadd.s32 s7, s5  }
0xe: {  	s5 =	simm.s32 $0x43;
	s7 =	sor.u32 $0x1C02, s31;
	s12 =	sshrl.u32 s12, $0x3  }
0xf: {  	s5 =	simm.s32 @!p0 $0x5F;
	s6 =	sadd.s32 $0x4F400, s8;
	s8 =	sadd.s32 $0x1C200, s10  }
0x10: {  	s9 =	sadd.s32 $0x10200, s10;
	s10 =	sadd.s32 $0x77400, s13;
	s13 =	simm.s32 $0x2  }
.LBB2_1:
0x11: {  	[spmem:s12], [sflag:s7] =	dma.local [hbm:s6], $0x2800  }
0x12: {  	_ =	swait.ge [sflag:s13], $0x2800  }
0x13: {  	[sflag:s13] =	ssyncset.done $0x0  }
0x14: {  	[sflag:s13] =	ssyncadd.s32 $0xFFFFD800  }
0x15: {  	[tilespmem:s3], [sflag:$0x2] =	stream.linear.gather [hbm4b:s8+s3], $0x3000, $0x38;
	[tilespmem:$0x1E000] =	vst v63  }
0x16: {  	_ =	swait.ge [sflag:s13], $0x3000  }
0x17: {  	[sflag:s13] =	ssyncset.done $0x0  }
0x18: {  	s18 =	simm.s32 $0x3000;
	[sflag:s13] =	ssyncadd.s32 $0xFFFFD000  }
0x19: {  	[tilespmem:s18], [sflag:$0x2] =	stream.linear.gather [hbm4b:s9+s3], $0x3000, $0x38;
	[tilespmem:$0x1E000] =	vst v63  }
0x1a: {  	_ =	swait.ge [sflag:s13], $0x3000  }
0x1b: {  	[sflag:s13] =	ssyncset.done $0x0  }
0x1c: {  	[sflag:s13] =	ssyncadd.s32 $0xFFFFD000  }
0x1d: {  	[bflag:$0x0] =	sbarrier.arrive $0xFFFF  }
0x1e: {  	[tilespmem:s15], [sflag:$0x1] =	stream.indirect.gather [hbm4b:s4+s14], $0x80, s3, s14, $0xb8;
	[tilespmem:$0x1E000] =	vst v63  }
0x1f: {  	p0 =	sne.s32 s5, $0x1;
	_ =	swait.ge [sflag:s16], $0x4000  }
.Ltmp0:
0x20: {  	[sflag:s16] =	ssyncset.done $0x0;
	(pc) =	sbr.rel @!p0 .LBB2_3-.Ltmp0, $4  }
0x21: {  	[sflag:s16] =	ssyncadd.s32 $0xFFFFC000  }
0x22: {  	[spmem:s2] =	stream.indirect.scatter.add.f32 [tilespmem:s15], [sflag:$0x2], $0x80, s18, s14, $0xb8;
	[tilespmem:$0x1E000] =	vst v63  }
0x23: {  	_ =	swait.ge [sflag:s13], $0x4000  }
0x24: {  	s19 =	sadd.s32 $0xFFFFFFFF, s5;
	s20 =	simm.s32 $0x0;
	[sflag:s13] =	ssyncset.done $0x0  }
.LBB2_2:
0x25: {  	[sflag:s13] =	ssyncadd.s32 $0xFFFFC000;
	s20 =	sadd.s32 $0x80, s20;
	s18 =	sadd.s32 $0x80, s18  }
0x26: {  	[tilespmem:s15], [sflag:$0x1] =	stream.indirect.gather [hbm4b:s4+s14], $0x80, s20, s14, $0xb8;
	[tilespmem:$0x1E000] =	vst v63  }
0x27: {  	p0 =	sne.s32 s19, $0x1;
	s19 =	sadd.s32 $0xFFFFFFFF, s19;
	_ =	swait.ge [sflag:s16], $0x4000  }
.Ltmp1:
0x28: {  	[sflag:s16] =	ssyncset.done $0x0;
	(pc) =	sbr.rel @p0 .LBB2_2-.Ltmp1, $4  }
0x29: {  	[sflag:s16] =	ssyncadd.s32 $0xFFFFC000  }
0x2a: {  	[spmem:s2] =	stream.indirect.scatter.add.f32 [tilespmem:s15], [sflag:$0x2], $0x80, s18, s14, $0xb8;
	[tilespmem:$0x1E000] =	vst v63  }
0x2b: {  	_ =	swait.ge [sflag:s13], $0x4000  }
0x2c: {  	[sflag:s13] =	ssyncset.done $0x0  }
.LBB2_3:
0x2d: {  	s17 =	sadd.s32 $0x1, s17  }
0x2e: {  	[sflag:s13] =	ssyncadd.s32 $0xFFFFC000;
	p0 =	sne.s32 s17, s11  }
.Ltmp2:
0x2f: {  	[bflag:$0x0] =	sbarrier.arrive $0xFFFF;
	(pc) =	sbr.rel @p0 .LBB2_1-.Ltmp2, $4  }
0x30: {  	[hbm:s10], [sflag:s7] =	dma.local [spmem:s12], $0x2800  }
0x31: {  	_ =	swait.ge [sflag:s13], $0x2800  }
0x32: {  	[sflag:s13] =	ssyncset.done $0x0  }
0x33: {  	[sflag:s13] =	ssyncadd.s32 $0xFFFFD800  }
0x34: {  	_ =	sfence.sel $0x180000  }
0x35: {  	[bflag:$0x0] =	sbarrier.arrive $0xFFFF  }
0x36: {  	p0 =	sne.s32 s0, $0x0;
	_ =	strace $0x9000004A  }
0x37: {  	s0 =	sadd.s32 @!p0 $0x100000, s1;
	[bflag:$0x2] =	sbarrier.arrive $0xFFFF  }
0x38: {  	[sflag:s0] =	ssyncadd.tile.s32 @!p0 $0x1;
	_ =	shalt  }
.Lfunc_end2:
_tile_overlayer_lowered:
.L_overlay_start_2:
0x39: {  	(tag) =	ssettag $0x2  }
0x3a: {  	s0 =	rddreg [dreg:$0x0];
	s2 =	stileid.u32  }
0x3b: {  	s1 =	rddreg [dreg:$0x1];
	p0 =	sne.s32 s2, $0x0  }
0x3c: {  	s3 =	rddreg [dreg:$0x2];
	[bflag:$0x3] =	sbarrier.arrive $0xFFFF;
	s2 =	simm.s32 @!p0 $0x1C02  }
0x3d: {  	[timem:s3], [sflag:s2] =	dma.local @!p0 [hbm:s0], s1  }
0x3e: {  	s0 =	simm.s32 @!p0 $0x2  }
0x3f: {  	_ =	swait.ge @!p0 [sflag:s0], s1  }
0x40: {  	s1 =	ssub.s32 @!p0 $0x0, s1;
	[sflag:s0] =	ssyncset.done @!p0 $0x0  }
0x41: {  	[sflag:s0] =	ssyncadd.s32 @!p0 s1  }
0x42: {  	[bflag:$0x3] =	sbarrier.arrive $0xFFFF  }
0x43: {  	_ =	shalt  }

// kernel: kernel.18.cloned.1.call-start
scs
__scs_entry_jumppad:
0x0: {  	(pc) =	sbr.rel $0x88, $3  }
0x1: {  	(tag) =	ssettag $0x0;
	lr =	simm.s32 $0x1  }
0x2: {  	[smem:$0x3F8C] =	sst lr;
	_ =	strace $0xD0000000  }
0x3: {  	_ = 	snop  }
0x4: {  	_ = 	snop  }
0x5: {  	_ = 	snop  }
0x6: {  	_ = 	snop  }
0x7: {  	_ = 	snop  }
__scs_overlays_trampoline_lowered:
0x8: {  	[smem:$0x3F9B] =	sst s0  }
0x9: {  	[smem:$0x3F9C] =	sst s1  }
0xa: {  	[smem:$0x3F9D] =	sst s2  }
0xb: {  	[smem:$0x3F9E] =	sst s3  }
0xc: {  	[smem:$0x3F9F] =	sst s4  }
0xd: {  	[smem:$0x3FA0] =	sst s5  }
0xe: {  	[smem:$0x3FA1] =	sst s6  }
0xf: {  	[smem:$0x3FA2] =	sst s7  }
0x10: {  	[smem:$0x3FA3] =	sst s8  }
0x11: {  	[smem:$0x3FA4] =	sst s9;
	s0 =	simm.s32 @!p0 $0x0  }
0x12: {  	s1 =	sld [smem:$0x3F8A];
	s0 =	simm.s32 @p0 $0x1  }
0x13: {  	[smem:$0x3FA5] =	sst s0;
	s0 =	simm.s32 @!p1 $0x0  }
0x14: {  	s2 =	sld [smem:$0x3F89];
	s0 =	simm.s32 @p1 $0x1  }
0x15: {  	[smem:$0x3FA6] =	sst s0;
	s0 =	simm.s32 @!p2 $0x0  }
0x16: {  	s3 =	sld [smem:$0x3FDB];
	s0 =	simm.s32 @p2 $0x1  }
0x17: {  	s4 =	simm.s32 $0x1BF5;
	[smem:$0x3FA8] =	sst s0  }
0x18: {  	s0 =	sld [smem:$0x3F8B];
	_ =	swait.ge [sflag:s4], $0x0  }
0x19: {  	s7 =	sld [smem:$0x3F8C]  }
0x1a: {  	s8 =	sadd.s32 $0xFFFFE003, lr  }
0x1b: {  	s9 =	sadd.s32 $0xFFFFFEF7, lr;
	s5 =	simm.s32 $0xFFFFFFFF;
	p2 =	slt.u32 s8, $0xFFFFF086  }
0x1c: {  	p1 =	slt.u32 s9, $0xF7A;
	s5 =	simm.s32 @!p2 $0x0  }
0x1d: {  	s5 =	simm.s32 @p1 $0x1;
	p0 =	seq.s32 s7, s2  }
0x1e: {  	s7 =	smul.u32 @!p0 $0xF7A, s2;
	p2 =	seq.s32 @!p0 s5, $0x0  }
0x1f: {  	s9 =	smul.u32 $0xF7A, s1;
	s8 =	simm.s32 @!p0 $0x1BF5;
	p2 =	por !p2, p0  }
0x20: {  	[sflag:s8] =	ssyncset.s32 @!p0 $0xFFFFF086;
	s6 =	sadd.s32 @!p0 s3, s7;
	s7 =	simm.s32 @!p0 $0x108  }
0x21: {  	s3 =	sadd.s32 s3, s9;
	s6 =	sadd.s32 @!p0 $0x88, s6;
	s7 =	simm.s32 @p2 $0x1082  }
0x22: {  	[simem:s7], [sflag:s8] =	dma.local @!p0 [hbm:s6], $0xF7A  }
0x23: {  	s9 =	sor.u32 $0xD0000000, s2;
	s6 =	simm.s32 $0x108;
	_ =	swait.ge @!p0 [sflag:s8], $0x0  }
0x24: {  	s3 =	sadd.s32 $0x88, s3;
	s6 =	simm.s32 @!p1 $0x1082;
	[sflag:s4] =	ssyncset.s32 $0xFFFFF086  }
0x25: {  	[simem:s6], [sflag:s4] =	dma.local [hbm:s3], $0xF7A  }
0x26: {  	[smem:$0x3F8C] =	sst s1;
	(tag) =	ssettag s2;
	_ =	strace s9  }
0x27: {  	s1 =	sld [smem:$0x3F9C]  }
0x28: {  	s2 =	sld [smem:$0x3F9D]  }
0x29: {  	s4 =	sld [smem:$0x3F9F]  }
0x2a: {  	p0 =	seq.s32 s5, $0x0;
	s5 =	sld [smem:$0x3FA0]  }
0x2b: {  	s6 =	sld [smem:$0x3FA1]  }
0x2c: {  	s7 =	sld [smem:$0x3FA2]  }
0x2d: {  	s3 =	simm.s32 $0x108;
	s8 =	sld [smem:$0x3FA3]  }
0x2e: {  	s3 =	simm.s32 @!p0 $0x1082;
	s9 =	sld [smem:$0x3FA4]  }
0x2f: {  	lr =	sadd.s32 s0, s3;
	s0 =	sld [smem:$0x3F9B]  }
0x30: {  	s3 =	sld [smem:$0x3F9E]  }
0x31: {  	[smem:$0x3FA7] =	sst s10  }
0x32: {  	s10 =	sld [smem:$0x3FA5];
	_ =	sdelay $0x3  }
0x33: {  	p0 =	seq.s32 s10, $0x1;
	s10 =	sld [smem:$0x3FA7];
	_ =	sdelay $0x3  }
0x34: {  	[smem:$0x3FA7] =	sst s10  }
0x35: {  	s10 =	sld [smem:$0x3FA6];
	_ =	sdelay $0x3  }
0x36: {  	p1 =	seq.s32 s10, $0x1;
	s10 =	sld [smem:$0x3FA7];
	_ =	sdelay $0x3  }
0x37: {  	[smem:$0x3FA7] =	sst s10  }
0x38: {  	s10 =	sld [smem:$0x3FA8]  }
0x39: {  	_ = 	snop;
	(pc) =	sbr.ind lr, $3  }
0x3a: {  	_ = 	snop  }
0x3b: {  	_ = 	snop  }
0x3c: {  	p2 =	seq.s32 s10, $0x1;
	s10 =	sld [smem:$0x3FA7]  }
0x3d: {  	_ =	shalt  }
0x3e: {  	_ =	shalt  }
0x3f: {  	_ =	shalt  }
0x40: {  	_ =	shalt  }
0x41: {  	_ =	shalt  }
0x42: {  	_ =	shalt  }
0x43: {  	_ =	shalt  }
0x44: {  	_ =	shalt  }
0x45: {  	_ =	shalt  }
0x46: {  	_ =	shalt  }
0x47: {  	_ =	shalt  }
0x48: {  	_ =	shalt  }
0x49: {  	_ =	shalt  }
0x4a: {  	_ =	shalt  }
0x4b: {  	_ =	shalt  }
0x4c: {  	_ =	shalt  }
0x4d: {  	_ =	shalt  }
0x4e: {  	_ =	shalt  }
0x4f: {  	_ =	shalt  }
0x50: {  	_ =	shalt  }
0x51: {  	_ =	shalt  }
0x52: {  	_ =	shalt  }
0x53: {  	_ =	shalt  }
0x54: {  	_ =	shalt  }
0x55: {  	_ =	shalt  }
0x56: {  	_ =	shalt  }
0x57: {  	_ =	shalt  }
0x58: {  	_ =	shalt  }
0x59: {  	_ =	shalt  }
0x5a: {  	_ =	shalt  }
0x5b: {  	_ =	shalt  }
0x5c: {  	_ =	shalt  }
0x5d: {  	_ =	shalt  }
0x5e: {  	_ =	shalt  }
0x5f: {  	_ =	shalt  }
0x60: {  	_ =	shalt  }
0x61: {  	_ =	shalt  }
0x62: {  	_ =	shalt  }
0x63: {  	_ =	shalt  }
0x64: {  	_ =	shalt  }
0x65: {  	_ =	shalt  }
0x66: {  	_ =	shalt  }
0x67: {  	_ =	shalt  }
0x68: {  	_ =	shalt  }
0x69: {  	_ =	shalt  }
0x6a: {  	_ =	shalt  }
0x6b: {  	_ =	shalt  }
0x6c: {  	_ =	shalt  }
0x6d: {  	_ =	shalt  }
0x6e: {  	_ =	shalt  }
0x6f: {  	_ =	shalt  }
0x70: {  	_ =	shalt  }
0x71: {  	_ =	shalt  }
0x72: {  	_ =	shalt  }
0x73: {  	_ =	shalt  }
0x74: {  	_ =	shalt  }
0x75: {  	_ =	shalt  }
0x76: {  	_ =	shalt  }
0x77: {  	_ =	shalt  }
0x78: {  	_ =	shalt  }
0x79: {  	_ =	shalt  }
0x7a: {  	_ =	shalt  }
0x7b: {  	_ =	shalt  }
0x7c: {  	_ =	shalt  }
0x7d: {  	_ =	shalt  }
0x7e: {  	_ =	shalt  }
0x7f: {  	_ =	shalt  }
0x80: {  	_ =	shalt  }
0x81: {  	_ =	shalt  }
0x82: {  	_ =	shalt  }
0x83: {  	_ =	shalt  }
0x84: {  	_ =	shalt  }
0x85: {  	_ =	shalt  }
0x86: {  	_ =	shalt  }
0x87: {  	_ =	shalt  }
.Lfunc_end0:
.L_simem_size_0:
called_computation.2_lowered:
.L_overlay_start_0:
0x88: {  	s2 =	sld [smem:$0x3FD9]  }
0x89: {  	s3 =	sld [smem:$0x3FFE];
	_ =	sdelay $0x1  }
0x8a: {  	s1 =	srdreg.scid  }
0x8b: {  	s0 =	sand.u32 $0x1, s1  }
0x8c: {  	s16 =	sshll.u32 s0, $0xA;
	s2 =	sadd.s32 s3, s2  }
0x8d: {  	s2 =	sadd.s32 s2, s16  }
0x8e: {  	[smem:$0x3FB3] =	sst s2  }
0x8f: {  	_ = 	snop  }
0x90: {  	(tm) =	ssettm $0x1  }
0x91: {  	s17 =	sld [smem:$0x3FFB];
	_ =	sdelay $0x3  }
0x92: {  	_ =	strace s17  }
0x93: {  	s2 =	sld [smem:$0x3FFC];
	_ =	sdelay $0x3  }
0x94: {  	_ =	strace s2  }
0x95: {  	s2 =	sld [smem:$0x3FFD];
	_ =	sdelay $0x3  }
0x96: {  	_ =	strace s2  }
0x97: {  	_ =	strace $0x8FFFFFFF  }
0x98: {  	s18 =	sld [smem:$0x3FDB];
	_ =	sdelay $0x1  }
0x99: {  	s19 =	simm.s32 $_scs_section_size  }
0x9a: {  	s4 =	simm.s32 $_size__tile_overlayer_lowered;
	s5 =	simm.s32 $_tile_overlayer_lowered  }
0x9b: {  	s22 =	simm.s32 $0x1BFF;
	s21 =	sshll.u32 s5, $0x1;
	s2 =	sadd.s32 s19, s18  }
0x9c: {  	s6 =	simm.s32 $0x0;
	s20 =	sshll.u32 s4, $0x1;
	s4 =	sadd.s32 s21, s2  }
0x9d: {  	[timem:s6], [sflag:s22] =	dma.local [hbm:s4], s20  }
0x9e: {  	_ =	swait.ge [sflag:s22], s20  }
0x9f: {  	s3 =	ssub.s32 $0x0, s20;
	[sflag:s22] =	ssyncset.done $0x0  }
0xa0: {  	[sflag:s22] =	ssyncadd.s32 s3;
	_ =	sdelay $0x1  }
0xa1: {  	s23 =	simm.s32 $0x1B8B  }
0xa2: {  	_ =	swait.ge [sflag:s23], $0x1  }
0xa3: {  	[sflag:s23] =	ssyncset.done $0x0  }
0xa4: {  	s25 =	simm.s32 $0x1B8E;
	s24 =	sld [smem:$0x3FFE];
	[sflag:s23] =	ssyncadd.s32 $0xFFFFFFFF  }
0xa5: {  	s26 =	simm.s32 $execute0_lowered;
	[smem:$0x3FD2] =	sst s25  }
0xa6: {  	s4 =	sshll.u32 s26, $0x1;
	_ =	strace $0x8000004C;
	[dreg:$0x1] =	wrdreg $0xFFFFFFFF  }
0xa7: {  	s28 =	simm.s32 $_size_execute0_lowered;
	s2 =	sadd.s32 s2, s4;
	[dreg:$0x0] =	wrdreg $0x0  }
0xa8: {  	s4 =	sshll.u32 s28, $0x1;
	[dreg:$0x2] =	wrdreg s2  }
0xa9: {  	[dreg:$0x3] =	wrdreg s4  }
0xaa: {  	[dreg:$0x4] =	wrdreg $0xC0  }
0xab: {  	_ =	task [dreg:s6], $0x5FFFF  }
0xac: {  	[dreg:$0x1] =	wrdreg $0xFFFFFFFF  }
0xad: {  	[dreg:$0x0] =	wrdreg $0x60  }
0xae: {  	[dreg:$0x2] =	wrdreg s24  }
0xaf: {  	[dreg:$0x3] =	wrdreg $0xA0000  }
0xb0: {  	[dreg:$0x4] =	wrdreg $0x9  }
0xb1: {  	_ =	task.clear_ibuf [dreg:s6], $0x5FFFF;
	_ =	strace $0x9000004C  }
0xb2: {  	s29 =	simm.s32 $0x9;
	_ =	strace $0x8000004E  }
0xb3: {  	_ =	swait.ge [sflag:s29], $0x1  }
0xb4: {  	[sflag:s29] =	ssyncadd.s32 $0xFFFFFFFF  }
0xb5: {  	_ =	strace $0x9000004E  }
0xb6: {  	_ =	sfence  }
0xb7: {  	s30 =	sld [smem:$0x0];
	_ =	sdelay $0x2  }
0xb8: {  	s31 =	sshll.u32 s1, $0xD;
	s1 =	sshrl.u32 s1, $0x2  }
0xb9: {  	s3 =	sand.u32 $0x4000, s31;
	s1 =	sadd.s32 s1, s30  }
0xba: {  	s0 =	sor.u32 s3, s0;
	s1 =	sshll.u32 s1, $0x11  }
0xbb: {  	s0 =	sor.u32 s1, s0  }
0xbc: {  	s0 =	sadd.s32 $0x8F2B, s0  }
0xbd: {  	[sflag:s0] =	ssyncadd.remote.s32 $0x1  }
0xbe: {  	_ =	sfence.sel $0xFFFF  }
0xbf: {  	[dreg:$0x0] =	wrdreg $0xFFFFFFFF;
	(pc) =	sbr.abs _section_cstart, $3  }
0xc0: {  	[dreg:$0x1] =	wrdreg $0xFFFFFFFF  }
0xc1: {  	_ =	task.clear_ibuf [dreg:s6], $0x2FFFF;
	_ =	strace $0x9FFFFFFF  }
0xc2: {  	(tm) =	ssettm $0x7FFFFFFF  }
0xc3: {  	_ =	shalt  }
tec
execute0_lowered:
.L_overlay_start_1:
0x0: {  	(tag) =	ssettag $0x1  }
0x1: {  	s5 =	rddreg [dreg:$0x0]  }
0x2: {  	s0 =	srdreg.scid;
	s2 =	rddreg [dreg:$0x1]  }
0x3: {  	s1 =	rddreg [dreg:$0x2];
	s6 =	sand.u32 $0x1, s0  }
0x4: {  	s3 =	simm.s32 $0x0;
	s0 =	stileid.u32;
	s4 =	smul.u32 $0x30000, s6  }
0x5: {  	s14 =	simm.s32 $0x80;
	s15 =	simm.s32 $0x6000;
	s7 =	smul.u32 $0x3000, s0  }
0x6: {  	s16 =	simm.s32 $0x1;
	[smem:$0x7FF] =	sst s3;
	s26 =	smul.u32 $0x14000, s0  }
0x7: {  	s17 =	simm.s32 $0x0;
	s9 =	smul.u32 $0x140000, s6;
	_ =	strace $0x8000004D  }
0x8: {  	s29 =	ssub.s32 $0x2, s6;
	s12 =	smul.u32 $0x50000, s0;
	p0 =	seq.s32 s6, $0x0  }
0x9: {  	s31 =	sshll.u32 s0, $0x6;
	s11 =	sshrl.u32 s29, $0x1;
	s4 =	sadd.s32 s7, s4  }
0xa: {  	s28 =	sshrl.u32 s26, $0x3;
	s7 =	sadd.s32 s26, s9;
	s11 =	ssub.s32 s29, s11  }
0xb: {  	s30 =	sshrl.u32 s12, $0x2;
	s8 =	sshrl.u32 s4, $0x3;
	s4 =	sadd.s32 $0x28200, s5  }
0xc: {  	s7 =	sshrl.u32 s7, $0x3;
	s12 =	sadd.s32 s30, s2;
	s11 =	smax.u32 s11, $0x1  }
0xd: {  	s10 =	sadd.s32 s8, s5;
	s8 =	sadd.s32 s28, s5;
	s13 =	sadd.s32 s7, s5  }
0xe: {  	s5 =	simm.s32 $0x43;
	s7 =	sor.u32 $0x1C02, s31;
	s12 =	sshrl.u32 s12, $0x3  }
0xf: {  	s5 =	simm.s32 @!p0 $0x5F;
	s6 =	sadd.s32 $0x4F400, s8;
	s8 =	sadd.s32 $0x1C200, s10  }
0x10: {  	s9 =	sadd.s32 $0x10200, s10;
	s10 =	sadd.s32 $0x77400, s13;
	s13 =	simm.s32 $0x2  }
.LBB2_1:
0x11: {  	[spmem:s12], [sflag:s7] =	dma.local [hbm:s6], $0x2800  }
0x12: {  	_ =	swait.ge [sflag:s13], $0x2800  }
0x13: {  	[sflag:s13] =	ssyncset.done $0x0  }
0x14: {  	[sflag:s13] =	ssyncadd.s32 $0xFFFFD800  }
0x15: {  	[tilespmem:s3], [sflag:$0x2] =	stream.linear.gather [hbm4b:s8+s3], $0x3000, $0x38;
	[tilespmem:$0x1E000] =	vst v63  }
0x16: {  	_ =	swait.ge [sflag:s13], $0x3000  }
0x17: {  	[sflag:s13] =	ssyncset.done $0x0  }
0x18: {  	s18 =	simm.s32 $0x3000;
	[sflag:s13] =	ssyncadd.s32 $0xFFFFD000  }
0x19: {  	[tilespmem:s18], [sflag:$0x2] =	stream.linear.gather [hbm4b:s9+s3], $0x3000, $0x38;
	[tilespmem:$0x1E000] =	vst v63  }
0x1a: {  	_ =	swait.ge [sflag:s13], $0x3000  }
0x1b: {  	[sflag:s13] =	ssyncset.done $0x0  }
0x1c: {  	[sflag:s13] =	ssyncadd.s32 $0xFFFFD000  }
0x1d: {  	[bflag:$0x0] =	sbarrier.arrive $0xFFFF  }
0x1e: {  	[tilespmem:s15], [sflag:$0x1] =	stream.indirect.gather [hbm4b:s4+s14], $0x80, s3, s14, $0xb8;
	[tilespmem:$0x1E000] =	vst v63  }
0x1f: {  	p0 =	sne.s32 s5, $0x1;
	_ =	swait.ge [sflag:s16], $0x4000  }
.Ltmp0:
0x20: {  	[sflag:s16] =	ssyncset.done $0x0;
	(pc) =	sbr.rel @!p0 .LBB2_3-.Ltmp0, $4  }
0x21: {  	[sflag:s16] =	ssyncadd.s32 $0xFFFFC000  }
0x22: {  	[spmem:s2] =	stream.indirect.scatter.add.f32 [tilespmem:s15], [sflag:$0x2], $0x80, s18, s14, $0xb8;
	[tilespmem:$0x1E000] =	vst v63  }
0x23: {  	_ =	swait.ge [sflag:s13], $0x4000  }
0x24: {  	s19 =	sadd.s32 $0xFFFFFFFF, s5;
	s20 =	simm.s32 $0x0;
	[sflag:s13] =	ssyncset.done $0x0  }
.LBB2_2:
0x25: {  	[sflag:s13] =	ssyncadd.s32 $0xFFFFC000;
	s20 =	sadd.s32 $0x80, s20;
	s18 =	sadd.s32 $0x80, s18  }
0x26: {  	[tilespmem:s15], [sflag:$0x1] =	stream.indirect.gather [hbm4b:s4+s14], $0x80, s20, s14, $0xb8;
	[tilespmem:$0x1E000] =	vst v63  }
0x27: {  	p0 =	sne.s32 s19, $0x1;
	s19 =	sadd.s32 $0xFFFFFFFF, s19;
	_ =	swait.ge [sflag:s16], $0x4000  }
.Ltmp1:
0x28: {  	[sflag:s16] =	ssyncset.done $0x0;
	(pc) =	sbr.rel @p0 .LBB2_2-.Ltmp1, $4  }
0x29: {  	[sflag:s16] =	ssyncadd.s32 $0xFFFFC000  }
0x2a: {  	[spmem:s2] =	stream.indirect.scatter.add.f32 [tilespmem:s15], [sflag:$0x2], $0x80, s18, s14, $0xb8;
	[tilespmem:$0x1E000] =	vst v63  }
0x2b: {  	_ =	swait.ge [sflag:s13], $0x4000  }
0x2c: {  	[sflag:s13] =	ssyncset.done $0x0  }
.LBB2_3:
0x2d: {  	s17 =	sadd.s32 $0x1, s17  }
0x2e: {  	[sflag:s13] =	ssyncadd.s32 $0xFFFFC000;
	p0 =	sne.s32 s17, s11  }
.Ltmp2:
0x2f: {  	[bflag:$0x0] =	sbarrier.arrive $0xFFFF;
	(pc) =	sbr.rel @p0 .LBB2_1-.Ltmp2, $4  }
0x30: {  	[hbm:s10], [sflag:s7] =	dma.local [spmem:s12], $0x2800  }
0x31: {  	_ =	swait.ge [sflag:s13], $0x2800  }
0x32: {  	[sflag:s13] =	ssyncset.done $0x0  }
0x33: {  	[sflag:s13] =	ssyncadd.s32 $0xFFFFD800  }
0x34: {  	_ =	sfence.sel $0x180000  }
0x35: {  	[bflag:$0x0] =	sbarrier.arrive $0xFFFF  }
0x36: {  	p0 =	sne.s32 s0, $0x0;
	_ =	strace $0x9000004D  }
0x37: {  	s0 =	sadd.s32 @!p0 $0x100000, s1;
	[bflag:$0x2] =	sbarrier.arrive $0xFFFF  }
0x38: {  	[sflag:s0] =	ssyncadd.tile.s32 @!p0 $0x1;
	_ =	shalt  }
.Lfunc_end2:
_tile_overlayer_lowered:
.L_overlay_start_2:
0x39: {  	(tag) =	ssettag $0x2  }
0x3a: {  	s0 =	rddreg [dreg:$0x0];
	s2 =	stileid.u32  }
0x3b: {  	s1 =	rddreg [dreg:$0x1];
	p0 =	sne.s32 s2, $0x0  }
0x3c: {  	s3 =	rddreg [dreg:$0x2];
	[bflag:$0x3] =	sbarrier.arrive $0xFFFF;
	s2 =	simm.s32 @!p0 $0x1C02  }
0x3d: {  	[timem:s3], [sflag:s2] =	dma.local @!p0 [hbm:s0], s1  }
0x3e: {  	s0 =	simm.s32 @!p0 $0x2  }
0x3f: {  	_ =	swait.ge @!p0 [sflag:s0], s1  }
0x40: {  	s1 =	ssub.s32 @!p0 $0x0, s1;
	[sflag:s0] =	ssyncset.done @!p0 $0x0  }
0x41: {  	[sflag:s0] =	ssyncadd.s32 @!p0 s1  }
0x42: {  	[bflag:$0x3] =	sbarrier.arrive $0xFFFF  }
0x43: {  	_ =	shalt  }

// kernel: kernel.21.cloned.1.call-start
scs
__scs_entry_jumppad:
0x0: {  	(pc) =	sbr.rel $0x88, $3  }
0x1: {  	(tag) =	ssettag $0x0;
	lr =	simm.s32 $0x1  }
0x2: {  	[smem:$0x3F8C] =	sst lr;
	_ =	strace $0xD0000000  }
0x3: {  	_ = 	snop  }
0x4: {  	_ = 	snop  }
0x5: {  	_ = 	snop  }
0x6: {  	_ = 	snop  }
0x7: {  	_ = 	snop  }
__scs_overlays_trampoline_lowered:
0x8: {  	[smem:$0x3F9B] =	sst s0  }
0x9: {  	[smem:$0x3F9C] =	sst s1  }
0xa: {  	[smem:$0x3F9D] =	sst s2  }
0xb: {  	[smem:$0x3F9E] =	sst s3  }
0xc: {  	[smem:$0x3F9F] =	sst s4  }
0xd: {  	[smem:$0x3FA0] =	sst s5  }
0xe: {  	[smem:$0x3FA1] =	sst s6  }
0xf: {  	[smem:$0x3FA2] =	sst s7  }
0x10: {  	[smem:$0x3FA3] =	sst s8  }
0x11: {  	[smem:$0x3FA4] =	sst s9;
	s0 =	simm.s32 @!p0 $0x0  }
0x12: {  	s1 =	sld [smem:$0x3F8A];
	s0 =	simm.s32 @p0 $0x1  }
0x13: {  	[smem:$0x3FA5] =	sst s0;
	s0 =	simm.s32 @!p1 $0x0  }
0x14: {  	s2 =	sld [smem:$0x3F89];
	s0 =	simm.s32 @p1 $0x1  }
0x15: {  	[smem:$0x3FA6] =	sst s0;
	s0 =	simm.s32 @!p2 $0x0  }
0x16: {  	s3 =	sld [smem:$0x3FDB];
	s0 =	simm.s32 @p2 $0x1  }
0x17: {  	s4 =	simm.s32 $0x1BF5;
	[smem:$0x3FA8] =	sst s0  }
0x18: {  	s0 =	sld [smem:$0x3F8B];
	_ =	swait.ge [sflag:s4], $0x0  }
0x19: {  	s7 =	sld [smem:$0x3F8C]  }
0x1a: {  	s8 =	sadd.s32 $0xFFFFE003, lr  }
0x1b: {  	s9 =	sadd.s32 $0xFFFFFEF7, lr;
	s5 =	simm.s32 $0xFFFFFFFF;
	p2 =	slt.u32 s8, $0xFFFFF086  }
0x1c: {  	p1 =	slt.u32 s9, $0xF7A;
	s5 =	simm.s32 @!p2 $0x0  }
0x1d: {  	s5 =	simm.s32 @p1 $0x1;
	p0 =	seq.s32 s7, s2  }
0x1e: {  	s7 =	smul.u32 @!p0 $0xF7A, s2;
	p2 =	seq.s32 @!p0 s5, $0x0  }
0x1f: {  	s9 =	smul.u32 $0xF7A, s1;
	s8 =	simm.s32 @!p0 $0x1BF5;
	p2 =	por !p2, p0  }
0x20: {  	[sflag:s8] =	ssyncset.s32 @!p0 $0xFFFFF086;
	s6 =	sadd.s32 @!p0 s3, s7;
	s7 =	simm.s32 @!p0 $0x108  }
0x21: {  	s3 =	sadd.s32 s3, s9;
	s6 =	sadd.s32 @!p0 $0x88, s6;
	s7 =	simm.s32 @p2 $0x1082  }
0x22: {  	[simem:s7], [sflag:s8] =	dma.local @!p0 [hbm:s6], $0xF7A  }
0x23: {  	s9 =	sor.u32 $0xD0000000, s2;
	s6 =	simm.s32 $0x108;
	_ =	swait.ge @!p0 [sflag:s8], $0x0  }
0x24: {  	s3 =	sadd.s32 $0x88, s3;
	s6 =	simm.s32 @!p1 $0x1082;
	[sflag:s4] =	ssyncset.s32 $0xFFFFF086  }
0x25: {  	[simem:s6], [sflag:s4] =	dma.local [hbm:s3], $0xF7A  }
0x26: {  	[smem:$0x3F8C] =	sst s1;
	(tag) =	ssettag s2;
	_ =	strace s9  }
0x27: {  	s1 =	sld [smem:$0x3F9C]  }
0x28: {  	s2 =	sld [smem:$0x3F9D]  }
0x29: {  	s4 =	sld [smem:$0x3F9F]  }
0x2a: {  	p0 =	seq.s32 s5, $0x0;
	s5 =	sld [smem:$0x3FA0]  }
0x2b: {  	s6 =	sld [smem:$0x3FA1]  }
0x2c: {  	s7 =	sld [smem:$0x3FA2]  }
0x2d: {  	s3 =	simm.s32 $0x108;
	s8 =	sld [smem:$0x3FA3]  }
0x2e: {  	s3 =	simm.s32 @!p0 $0x1082;
	s9 =	sld [smem:$0x3FA4]  }
0x2f: {  	lr =	sadd.s32 s0, s3;
	s0 =	sld [smem:$0x3F9B]  }
0x30: {  	s3 =	sld [smem:$0x3F9E]  }
0x31: {  	[smem:$0x3FA7] =	sst s10  }
0x32: {  	s10 =	sld [smem:$0x3FA5];
	_ =	sdelay $0x3  }
0x33: {  	p0 =	seq.s32 s10, $0x1;
	s10 =	sld [smem:$0x3FA7];
	_ =	sdelay $0x3  }
0x34: {  	[smem:$0x3FA7] =	sst s10  }
0x35: {  	s10 =	sld [smem:$0x3FA6];
	_ =	sdelay $0x3  }
0x36: {  	p1 =	seq.s32 s10, $0x1;
	s10 =	sld [smem:$0x3FA7];
	_ =	sdelay $0x3  }
0x37: {  	[smem:$0x3FA7] =	sst s10  }
0x38: {  	s10 =	sld [smem:$0x3FA8]  }
0x39: {  	_ = 	snop;
	(pc) =	sbr.ind lr, $3  }
0x3a: {  	_ = 	snop  }
0x3b: {  	_ = 	snop  }
0x3c: {  	p2 =	seq.s32 s10, $0x1;
	s10 =	sld [smem:$0x3FA7]  }
0x3d: {  	_ =	shalt  }
0x3e: {  	_ =	shalt  }
0x3f: {  	_ =	shalt  }
0x40: {  	_ =	shalt  }
0x41: {  	_ =	shalt  }
0x42: {  	_ =	shalt  }
0x43: {  	_ =	shalt  }
0x44: {  	_ =	shalt  }
0x45: {  	_ =	shalt  }
0x46: {  	_ =	shalt  }
0x47: {  	_ =	shalt  }
0x48: {  	_ =	shalt  }
0x49: {  	_ =	shalt  }
0x4a: {  	_ =	shalt  }
0x4b: {  	_ =	shalt  }
0x4c: {  	_ =	shalt  }
0x4d: {  	_ =	shalt  }
0x4e: {  	_ =	shalt  }
0x4f: {  	_ =	shalt  }
0x50: {  	_ =	shalt  }
0x51: {  	_ =	shalt  }
0x52: {  	_ =	shalt  }
0x53: {  	_ =	shalt  }
0x54: {  	_ =	shalt  }
0x55: {  	_ =	shalt  }
0x56: {  	_ =	shalt  }
0x57: {  	_ =	shalt  }
0x58: {  	_ =	shalt  }
0x59: {  	_ =	shalt  }
0x5a: {  	_ =	shalt  }
0x5b: {  	_ =	shalt  }
0x5c: {  	_ =	shalt  }
0x5d: {  	_ =	shalt  }
0x5e: {  	_ =	shalt  }
0x5f: {  	_ =	shalt  }
0x60: {  	_ =	shalt  }
0x61: {  	_ =	shalt  }
0x62: {  	_ =	shalt  }
0x63: {  	_ =	shalt  }
0x64: {  	_ =	shalt  }
0x65: {  	_ =	shalt  }
0x66: {  	_ =	shalt  }
0x67: {  	_ =	shalt  }
0x68: {  	_ =	shalt  }
0x69: {  	_ =	shalt  }
0x6a: {  	_ =	shalt  }
0x6b: {  	_ =	shalt  }
0x6c: {  	_ =	shalt  }
0x6d: {  	_ =	shalt  }
0x6e: {  	_ =	shalt  }
0x6f: {  	_ =	shalt  }
0x70: {  	_ =	shalt  }
0x71: {  	_ =	shalt  }
0x72: {  	_ =	shalt  }
0x73: {  	_ =	shalt  }
0x74: {  	_ =	shalt  }
0x75: {  	_ =	shalt  }
0x76: {  	_ =	shalt  }
0x77: {  	_ =	shalt  }
0x78: {  	_ =	shalt  }
0x79: {  	_ =	shalt  }
0x7a: {  	_ =	shalt  }
0x7b: {  	_ =	shalt  }
0x7c: {  	_ =	shalt  }
0x7d: {  	_ =	shalt  }
0x7e: {  	_ =	shalt  }
0x7f: {  	_ =	shalt  }
0x80: {  	_ =	shalt  }
0x81: {  	_ =	shalt  }
0x82: {  	_ =	shalt  }
0x83: {  	_ =	shalt  }
0x84: {  	_ =	shalt  }
0x85: {  	_ =	shalt  }
0x86: {  	_ =	shalt  }
0x87: {  	_ =	shalt  }
.Lfunc_end0:
.L_simem_size_0:
called_computation.3_lowered:
.L_overlay_start_0:
0x88: {  	s2 =	sld [smem:$0x3FD9]  }
0x89: {  	s3 =	sld [smem:$0x3FFE];
	_ =	sdelay $0x1  }
0x8a: {  	s1 =	srdreg.scid  }
0x8b: {  	s0 =	sand.u32 $0x1, s1  }
0x8c: {  	s16 =	sshll.u32 s0, $0xA;
	s2 =	sadd.s32 s3, s2  }
0x8d: {  	s2 =	sadd.s32 s2, s16  }
0x8e: {  	[smem:$0x3FB3] =	sst s2  }
0x8f: {  	_ = 	snop  }
0x90: {  	(tm) =	ssettm $0x1  }
0x91: {  	s17 =	sld [smem:$0x3FFB];
	_ =	sdelay $0x3  }
0x92: {  	_ =	strace s17  }
0x93: {  	s2 =	sld [smem:$0x3FFC];
	_ =	sdelay $0x3  }
0x94: {  	_ =	strace s2  }
0x95: {  	s2 =	sld [smem:$0x3FFD];
	_ =	sdelay $0x3  }
0x96: {  	_ =	strace s2  }
0x97: {  	_ =	strace $0x8FFFFFFF  }
0x98: {  	s18 =	sld [smem:$0x3FDB];
	_ =	sdelay $0x1  }
0x99: {  	s19 =	simm.s32 $_scs_section_size  }
0x9a: {  	s4 =	simm.s32 $_size__tile_overlayer_lowered;
	s5 =	simm.s32 $_tile_overlayer_lowered  }
0x9b: {  	s22 =	simm.s32 $0x1BFF;
	s21 =	sshll.u32 s5, $0x1;
	s2 =	sadd.s32 s19, s18  }
0x9c: {  	s6 =	simm.s32 $0x0;
	s20 =	sshll.u32 s4, $0x1;
	s4 =	sadd.s32 s21, s2  }
0x9d: {  	[timem:s6], [sflag:s22] =	dma.local [hbm:s4], s20  }
0x9e: {  	_ =	swait.ge [sflag:s22], s20  }
0x9f: {  	s3 =	ssub.s32 $0x0, s20;
	[sflag:s22] =	ssyncset.done $0x0  }
0xa0: {  	[sflag:s22] =	ssyncadd.s32 s3;
	_ =	sdelay $0x1  }
0xa1: {  	s23 =	simm.s32 $0x1B8B  }
0xa2: {  	_ =	swait.ge [sflag:s23], $0x1  }
0xa3: {  	[sflag:s23] =	ssyncset.done $0x0  }
0xa4: {  	s25 =	simm.s32 $0x1B8E;
	s24 =	sld [smem:$0x3FFE];
	[sflag:s23] =	ssyncadd.s32 $0xFFFFFFFF  }
0xa5: {  	s26 =	simm.s32 $execute0_lowered;
	[smem:$0x3FD2] =	sst s25  }
0xa6: {  	s4 =	sshll.u32 s26, $0x1;
	_ =	strace $0x8000004F;
	[dreg:$0x1] =	wrdreg $0xFFFFFFFF  }
0xa7: {  	s28 =	simm.s32 $_size_execute0_lowered;
	s2 =	sadd.s32 s2, s4;
	[dreg:$0x0] =	wrdreg $0x0  }
0xa8: {  	s4 =	sshll.u32 s28, $0x1;
	[dreg:$0x2] =	wrdreg s2  }
0xa9: {  	[dreg:$0x3] =	wrdreg s4  }
0xaa: {  	[dreg:$0x4] =	wrdreg $0xC0  }
0xab: {  	_ =	task [dreg:s6], $0x5FFFF  }
0xac: {  	[dreg:$0x1] =	wrdreg $0xFFFFFFFF  }
0xad: {  	[dreg:$0x0] =	wrdreg $0x60  }
0xae: {  	[dreg:$0x2] =	wrdreg s24  }
0xaf: {  	[dreg:$0x3] =	wrdreg $0xA0000  }
0xb0: {  	[dreg:$0x4] =	wrdreg $0x9  }
0xb1: {  	_ =	task.clear_ibuf [dreg:s6], $0x5FFFF;
	_ =	strace $0x9000004F  }
0xb2: {  	s29 =	simm.s32 $0x9;
	_ =	strace $0x80000051  }
0xb3: {  	_ =	swait.ge [sflag:s29], $0x1  }
0xb4: {  	[sflag:s29] =	ssyncadd.s32 $0xFFFFFFFF  }
0xb5: {  	_ =	strace $0x90000051  }
0xb6: {  	_ =	sfence  }
0xb7: {  	s30 =	sld [smem:$0x0];
	_ =	sdelay $0x2  }
0xb8: {  	s31 =	sshll.u32 s1, $0xD;
	s1 =	sshrl.u32 s1, $0x2  }
0xb9: {  	s3 =	sand.u32 $0x4000, s31;
	s1 =	sadd.s32 s1, s30  }
0xba: {  	s0 =	sor.u32 s3, s0;
	s1 =	sshll.u32 s1, $0x11  }
0xbb: {  	s0 =	sor.u32 s1, s0  }
0xbc: {  	s0 =	sadd.s32 $0x8F2B, s0  }
0xbd: {  	[sflag:s0] =	ssyncadd.remote.s32 $0x1  }
0xbe: {  	_ =	sfence.sel $0xFFFF  }
0xbf: {  	[dreg:$0x0] =	wrdreg $0xFFFFFFFF;
	(pc) =	sbr.abs _section_cstart, $3  }
0xc0: {  	[dreg:$0x1] =	wrdreg $0xFFFFFFFF  }
0xc1: {  	_ =	task.clear_ibuf [dreg:s6], $0x2FFFF;
	_ =	strace $0x9FFFFFFF  }
0xc2: {  	(tm) =	ssettm $0x7FFFFFFF  }
0xc3: {  	_ =	shalt  }
tec
execute0_lowered:
.L_overlay_start_1:
0x0: {  	(tag) =	ssettag $0x1  }
0x1: {  	s5 =	rddreg [dreg:$0x0]  }
0x2: {  	s0 =	srdreg.scid;
	s2 =	rddreg [dreg:$0x1]  }
0x3: {  	s1 =	rddreg [dreg:$0x2];
	s6 =	sand.u32 $0x1, s0  }
0x4: {  	s3 =	simm.s32 $0x0;
	s0 =	stileid.u32;
	s4 =	smul.u32 $0x30000, s6  }
0x5: {  	s14 =	simm.s32 $0x80;
	s15 =	simm.s32 $0x6000;
	s7 =	smul.u32 $0x3000, s0  }
0x6: {  	s16 =	simm.s32 $0x1;
	[smem:$0x7FF] =	sst s3;
	s26 =	smul.u32 $0x14000, s0  }
0x7: {  	s17 =	simm.s32 $0x0;
	s9 =	smul.u32 $0x140000, s6;
	_ =	strace $0x80000050  }
0x8: {  	s29 =	ssub.s32 $0x2, s6;
	s12 =	smul.u32 $0x50000, s0;
	p0 =	seq.s32 s6, $0x0  }
0x9: {  	s31 =	sshll.u32 s0, $0x6;
	s11 =	sshrl.u32 s29, $0x1;
	s4 =	sadd.s32 s7, s4  }
0xa: {  	s28 =	sshrl.u32 s26, $0x3;
	s7 =	sadd.s32 s26, s9;
	s11 =	ssub.s32 s29, s11  }
0xb: {  	s30 =	sshrl.u32 s12, $0x2;
	s8 =	sshrl.u32 s4, $0x3;
	s4 =	sadd.s32 $0x28200, s5  }
0xc: {  	s7 =	sshrl.u32 s7, $0x3;
	s12 =	sadd.s32 s30, s2;
	s11 =	smax.u32 s11, $0x1  }
0xd: {  	s10 =	sadd.s32 s8, s5;
	s8 =	sadd.s32 s28, s5;
	s13 =	sadd.s32 s7, s5  }
0xe: {  	s5 =	simm.s32 $0x43;
	s7 =	sor.u32 $0x1C02, s31;
	s12 =	sshrl.u32 s12, $0x3  }
0xf: {  	s5 =	simm.s32 @!p0 $0x5F;
	s6 =	sadd.s32 $0x4F400, s8;
	s8 =	sadd.s32 $0x1C200, s10  }
0x10: {  	s9 =	sadd.s32 $0x10200, s10;
	s10 =	sadd.s32 $0x77400, s13;
	s13 =	simm.s32 $0x2  }
.LBB2_1:
0x11: {  	[spmem:s12], [sflag:s7] =	dma.local [hbm:s6], $0x2800  }
0x12: {  	_ =	swait.ge [sflag:s13], $0x2800  }
0x13: {  	[sflag:s13] =	ssyncset.done $0x0  }
0x14: {  	[sflag:s13] =	ssyncadd.s32 $0xFFFFD800  }
0x15: {  	[tilespmem:s3], [sflag:$0x2] =	stream.linear.gather [hbm4b:s8+s3], $0x3000, $0x38;
	[tilespmem:$0x1E000] =	vst v63  }
0x16: {  	_ =	swait.ge [sflag:s13], $0x3000  }
0x17: {  	[sflag:s13] =	ssyncset.done $0x0  }
0x18: {  	s18 =	simm.s32 $0x3000;
	[sflag:s13] =	ssyncadd.s32 $0xFFFFD000  }
0x19: {  	[tilespmem:s18], [sflag:$0x2] =	stream.linear.gather [hbm4b:s9+s3], $0x3000, $0x38;
	[tilespmem:$0x1E000] =	vst v63  }
0x1a: {  	_ =	swait.ge [sflag:s13], $0x3000  }
0x1b: {  	[sflag:s13] =	ssyncset.done $0x0  }
0x1c: {  	[sflag:s13] =	ssyncadd.s32 $0xFFFFD000  }
0x1d: {  	[bflag:$0x0] =	sbarrier.arrive $0xFFFF  }
0x1e: {  	[tilespmem:s15], [sflag:$0x1] =	stream.indirect.gather [hbm4b:s4+s14], $0x80, s3, s14, $0xb8;
	[tilespmem:$0x1E000] =	vst v63  }
0x1f: {  	p0 =	sne.s32 s5, $0x1;
	_ =	swait.ge [sflag:s16], $0x4000  }
.Ltmp0:
0x20: {  	[sflag:s16] =	ssyncset.done $0x0;
	(pc) =	sbr.rel @!p0 .LBB2_3-.Ltmp0, $4  }
0x21: {  	[sflag:s16] =	ssyncadd.s32 $0xFFFFC000  }
0x22: {  	[spmem:s2] =	stream.indirect.scatter.add.f32 [tilespmem:s15], [sflag:$0x2], $0x80, s18, s14, $0xb8;
	[tilespmem:$0x1E000] =	vst v63  }
0x23: {  	_ =	swait.ge [sflag:s13], $0x4000  }
0x24: {  	s19 =	sadd.s32 $0xFFFFFFFF, s5;
	s20 =	simm.s32 $0x0;
	[sflag:s13] =	ssyncset.done $0x0  }
.LBB2_2:
0x25: {  	[sflag:s13] =	ssyncadd.s32 $0xFFFFC000;
	s20 =	sadd.s32 $0x80, s20;
	s18 =	sadd.s32 $0x80, s18  }
0x26: {  	[tilespmem:s15], [sflag:$0x1] =	stream.indirect.gather [hbm4b:s4+s14], $0x80, s20, s14, $0xb8;
	[tilespmem:$0x1E000] =	vst v63  }
0x27: {  	p0 =	sne.s32 s19, $0x1;
	s19 =	sadd.s32 $0xFFFFFFFF, s19;
	_ =	swait.ge [sflag:s16], $0x4000  }
.Ltmp1:
0x28: {  	[sflag:s16] =	ssyncset.done $0x0;
	(pc) =	sbr.rel @p0 .LBB2_2-.Ltmp1, $4  }
0x29: {  	[sflag:s16] =	ssyncadd.s32 $0xFFFFC000  }
0x2a: {  	[spmem:s2] =	stream.indirect.scatter.add.f32 [tilespmem:s15], [sflag:$0x2], $0x80, s18, s14, $0xb8;
	[tilespmem:$0x1E000] =	vst v63  }
0x2b: {  	_ =	swait.ge [sflag:s13], $0x4000  }
0x2c: {  	[sflag:s13] =	ssyncset.done $0x0  }
.LBB2_3:
0x2d: {  	s17 =	sadd.s32 $0x1, s17  }
0x2e: {  	[sflag:s13] =	ssyncadd.s32 $0xFFFFC000;
	p0 =	sne.s32 s17, s11  }
.Ltmp2:
0x2f: {  	[bflag:$0x0] =	sbarrier.arrive $0xFFFF;
	(pc) =	sbr.rel @p0 .LBB2_1-.Ltmp2, $4  }
0x30: {  	[hbm:s10], [sflag:s7] =	dma.local [spmem:s12], $0x2800  }
0x31: {  	_ =	swait.ge [sflag:s13], $0x2800  }
0x32: {  	[sflag:s13] =	ssyncset.done $0x0  }
0x33: {  	[sflag:s13] =	ssyncadd.s32 $0xFFFFD800  }
0x34: {  	_ =	sfence.sel $0x180000  }
0x35: {  	[bflag:$0x0] =	sbarrier.arrive $0xFFFF  }
0x36: {  	p0 =	sne.s32 s0, $0x0;
	_ =	strace $0x90000050  }
0x37: {  	s0 =	sadd.s32 @!p0 $0x100000, s1;
	[bflag:$0x2] =	sbarrier.arrive $0xFFFF  }
0x38: {  	[sflag:s0] =	ssyncadd.tile.s32 @!p0 $0x1;
	_ =	shalt  }
.Lfunc_end2:
_tile_overlayer_lowered:
.L_overlay_start_2:
0x39: {  	(tag) =	ssettag $0x2  }
0x3a: {  	s0 =	rddreg [dreg:$0x0];
	s2 =	stileid.u32  }
0x3b: {  	s1 =	rddreg [dreg:$0x1];
	p0 =	sne.s32 s2, $0x0  }
0x3c: {  	s3 =	rddreg [dreg:$0x2];
	[bflag:$0x3] =	sbarrier.arrive $0xFFFF;
	s2 =	simm.s32 @!p0 $0x1C02  }
0x3d: {  	[timem:s3], [sflag:s2] =	dma.local @!p0 [hbm:s0], s1  }
0x3e: {  	s0 =	simm.s32 @!p0 $0x2  }
0x3f: {  	_ =	swait.ge @!p0 [sflag:s0], s1  }
0x40: {  	s1 =	ssub.s32 @!p0 $0x0, s1;
	[sflag:s0] =	ssyncset.done @!p0 $0x0  }
0x41: {  	[sflag:s0] =	ssyncadd.s32 @!p0 s1  }
0x42: {  	[bflag:$0x3] =	sbarrier.arrive $0xFFFF  }
0x43: {  	_ =	shalt  }

// kernel: kernel.24.cloned.1.call-start
scs
__scs_entry_jumppad:
0x0: {  	(pc) =	sbr.rel $0x88, $3  }
0x1: {  	(tag) =	ssettag $0x0;
	lr =	simm.s32 $0x1  }
0x2: {  	[smem:$0x3F8C] =	sst lr;
	_ =	strace $0xD0000000  }
0x3: {  	_ = 	snop  }
0x4: {  	_ = 	snop  }
0x5: {  	_ = 	snop  }
0x6: {  	_ = 	snop  }
0x7: {  	_ = 	snop  }
__scs_overlays_trampoline_lowered:
0x8: {  	[smem:$0x3F9B] =	sst s0  }
0x9: {  	[smem:$0x3F9C] =	sst s1  }
0xa: {  	[smem:$0x3F9D] =	sst s2  }
0xb: {  	[smem:$0x3F9E] =	sst s3  }
0xc: {  	[smem:$0x3F9F] =	sst s4  }
0xd: {  	[smem:$0x3FA0] =	sst s5  }
0xe: {  	[smem:$0x3FA1] =	sst s6  }
0xf: {  	[smem:$0x3FA2] =	sst s7  }
0x10: {  	[smem:$0x3FA3] =	sst s8  }
0x11: {  	[smem:$0x3FA4] =	sst s9;
	s0 =	simm.s32 @!p0 $0x0  }
0x12: {  	s1 =	sld [smem:$0x3F8A];
	s0 =	simm.s32 @p0 $0x1  }
0x13: {  	[smem:$0x3FA5] =	sst s0;
	s0 =	simm.s32 @!p1 $0x0  }
0x14: {  	s2 =	sld [smem:$0x3F89];
	s0 =	simm.s32 @p1 $0x1  }
0x15: {  	[smem:$0x3FA6] =	sst s0;
	s0 =	simm.s32 @!p2 $0x0  }
0x16: {  	s3 =	sld [smem:$0x3FDB];
	s0 =	simm.s32 @p2 $0x1  }
0x17: {  	s4 =	simm.s32 $0x1BF5;
	[smem:$0x3FA8] =	sst s0  }
0x18: {  	s0 =	sld [smem:$0x3F8B];
	_ =	swait.ge [sflag:s4], $0x0  }
0x19: {  	s7 =	sld [smem:$0x3F8C]  }
0x1a: {  	s8 =	sadd.s32 $0xFFFFE003, lr  }
0x1b: {  	s9 =	sadd.s32 $0xFFFFFEF7, lr;
	s5 =	simm.s32 $0xFFFFFFFF;
	p2 =	slt.u32 s8, $0xFFFFF086  }
0x1c: {  	p1 =	slt.u32 s9, $0xF7A;
	s5 =	simm.s32 @!p2 $0x0  }
0x1d: {  	s5 =	simm.s32 @p1 $0x1;
	p0 =	seq.s32 s7, s2  }
0x1e: {  	s7 =	smul.u32 @!p0 $0xF7A, s2;
	p2 =	seq.s32 @!p0 s5, $0x0  }
0x1f: {  	s9 =	smul.u32 $0xF7A, s1;
	s8 =	simm.s32 @!p0 $0x1BF5;
	p2 =	por !p2, p0  }
0x20: {  	[sflag:s8] =	ssyncset.s32 @!p0 $0xFFFFF086;
	s6 =	sadd.s32 @!p0 s3, s7;
	s7 =	simm.s32 @!p0 $0x108  }
0x21: {  	s3 =	sadd.s32 s3, s9;
	s6 =	sadd.s32 @!p0 $0x88, s6;
	s7 =	simm.s32 @p2 $0x1082  }
0x22: {  	[simem:s7], [sflag:s8] =	dma.local @!p0 [hbm:s6], $0xF7A  }
0x23: {  	s9 =	sor.u32 $0xD0000000, s2;
	s6 =	simm.s32 $0x108;
	_ =	swait.ge @!p0 [sflag:s8], $0x0  }
0x24: {  	s3 =	sadd.s32 $0x88, s3;
	s6 =	simm.s32 @!p1 $0x1082;
	[sflag:s4] =	ssyncset.s32 $0xFFFFF086  }
0x25: {  	[simem:s6], [sflag:s4] =	dma.local [hbm:s3], $0xF7A  }
0x26: {  	[smem:$0x3F8C] =	sst s1;
	(tag) =	ssettag s2;
	_ =	strace s9  }
0x27: {  	s1 =	sld [smem:$0x3F9C]  }
0x28: {  	s2 =	sld [smem:$0x3F9D]  }
0x29: {  	s4 =	sld [smem:$0x3F9F]  }
0x2a: {  	p0 =	seq.s32 s5, $0x0;
	s5 =	sld [smem:$0x3FA0]  }
0x2b: {  	s6 =	sld [smem:$0x3FA1]  }
0x2c: {  	s7 =	sld [smem:$0x3FA2]  }
0x2d: {  	s3 =	simm.s32 $0x108;
	s8 =	sld [smem:$0x3FA3]  }
0x2e: {  	s3 =	simm.s32 @!p0 $0x1082;
	s9 =	sld [smem:$0x3FA4]  }
0x2f: {  	lr =	sadd.s32 s0, s3;
	s0 =	sld [smem:$0x3F9B]  }
0x30: {  	s3 =	sld [smem:$0x3F9E]  }
0x31: {  	[smem:$0x3FA7] =	sst s10  }
0x32: {  	s10 =	sld [smem:$0x3FA5];
	_ =	sdelay $0x3  }
0x33: {  	p0 =	seq.s32 s10, $0x1;
	s10 =	sld [smem:$0x3FA7];
	_ =	sdelay $0x3  }
0x34: {  	[smem:$0x3FA7] =	sst s10  }
0x35: {  	s10 =	sld [smem:$0x3FA6];
	_ =	sdelay $0x3  }
0x36: {  	p1 =	seq.s32 s10, $0x1;
	s10 =	sld [smem:$0x3FA7];
	_ =	sdelay $0x3  }
0x37: {  	[smem:$0x3FA7] =	sst s10  }
0x38: {  	s10 =	sld [smem:$0x3FA8]  }
0x39: {  	_ = 	snop;
	(pc) =	sbr.ind lr, $3  }
0x3a: {  	_ = 	snop  }
0x3b: {  	_ = 	snop  }
0x3c: {  	p2 =	seq.s32 s10, $0x1;
	s10 =	sld [smem:$0x3FA7]  }
0x3d: {  	_ =	shalt  }
0x3e: {  	_ =	shalt  }
0x3f: {  	_ =	shalt  }
0x40: {  	_ =	shalt  }
0x41: {  	_ =	shalt  }
0x42: {  	_ =	shalt  }
0x43: {  	_ =	shalt  }
0x44: {  	_ =	shalt  }
0x45: {  	_ =	shalt  }
0x46: {  	_ =	shalt  }
0x47: {  	_ =	shalt  }
0x48: {  	_ =	shalt  }
0x49: {  	_ =	shalt  }
0x4a: {  	_ =	shalt  }
0x4b: {  	_ =	shalt  }
0x4c: {  	_ =	shalt  }
0x4d: {  	_ =	shalt  }
0x4e: {  	_ =	shalt  }
0x4f: {  	_ =	shalt  }
0x50: {  	_ =	shalt  }
0x51: {  	_ =	shalt  }
0x52: {  	_ =	shalt  }
0x53: {  	_ =	shalt  }
0x54: {  	_ =	shalt  }
0x55: {  	_ =	shalt  }
0x56: {  	_ =	shalt  }
0x57: {  	_ =	shalt  }
0x58: {  	_ =	shalt  }
0x59: {  	_ =	shalt  }
0x5a: {  	_ =	shalt  }
0x5b: {  	_ =	shalt  }
0x5c: {  	_ =	shalt  }
0x5d: {  	_ =	shalt  }
0x5e: {  	_ =	shalt  }
0x5f: {  	_ =	shalt  }
0x60: {  	_ =	shalt  }
0x61: {  	_ =	shalt  }
0x62: {  	_ =	shalt  }
0x63: {  	_ =	shalt  }
0x64: {  	_ =	shalt  }
0x65: {  	_ =	shalt  }
0x66: {  	_ =	shalt  }
0x67: {  	_ =	shalt  }
0x68: {  	_ =	shalt  }
0x69: {  	_ =	shalt  }
0x6a: {  	_ =	shalt  }
0x6b: {  	_ =	shalt  }
0x6c: {  	_ =	shalt  }
0x6d: {  	_ =	shalt  }
0x6e: {  	_ =	shalt  }
0x6f: {  	_ =	shalt  }
0x70: {  	_ =	shalt  }
0x71: {  	_ =	shalt  }
0x72: {  	_ =	shalt  }
0x73: {  	_ =	shalt  }
0x74: {  	_ =	shalt  }
0x75: {  	_ =	shalt  }
0x76: {  	_ =	shalt  }
0x77: {  	_ =	shalt  }
0x78: {  	_ =	shalt  }
0x79: {  	_ =	shalt  }
0x7a: {  	_ =	shalt  }
0x7b: {  	_ =	shalt  }
0x7c: {  	_ =	shalt  }
0x7d: {  	_ =	shalt  }
0x7e: {  	_ =	shalt  }
0x7f: {  	_ =	shalt  }
0x80: {  	_ =	shalt  }
0x81: {  	_ =	shalt  }
0x82: {  	_ =	shalt  }
0x83: {  	_ =	shalt  }
0x84: {  	_ =	shalt  }
0x85: {  	_ =	shalt  }
0x86: {  	_ =	shalt  }
0x87: {  	_ =	shalt  }
.Lfunc_end0:
.L_simem_size_0:
called_computation.4_lowered:
.L_overlay_start_0:
0x88: {  	s2 =	sld [smem:$0x3FD9]  }
0x89: {  	s3 =	sld [smem:$0x3FFE];
	_ =	sdelay $0x1  }
0x8a: {  	s1 =	srdreg.scid  }
0x8b: {  	s0 =	sand.u32 $0x1, s1  }
0x8c: {  	s16 =	sshll.u32 s0, $0xA;
	s2 =	sadd.s32 s3, s2  }
0x8d: {  	s2 =	sadd.s32 s2, s16  }
0x8e: {  	[smem:$0x3FB3] =	sst s2  }
0x8f: {  	_ = 	snop  }
0x90: {  	(tm) =	ssettm $0x1  }
0x91: {  	s17 =	sld [smem:$0x3FFB];
	_ =	sdelay $0x3  }
0x92: {  	_ =	strace s17  }
0x93: {  	s2 =	sld [smem:$0x3FFC];
	_ =	sdelay $0x3  }
0x94: {  	_ =	strace s2  }
0x95: {  	s2 =	sld [smem:$0x3FFD];
	_ =	sdelay $0x3  }
0x96: {  	_ =	strace s2  }
0x97: {  	_ =	strace $0x8FFFFFFF  }
0x98: {  	s18 =	sld [smem:$0x3FDB];
	_ =	sdelay $0x1  }
0x99: {  	s19 =	simm.s32 $_scs_section_size  }
0x9a: {  	s4 =	simm.s32 $_size__tile_overlayer_lowered;
	s5 =	simm.s32 $_tile_overlayer_lowered  }
0x9b: {  	s22 =	simm.s32 $0x1BFF;
	s21 =	sshll.u32 s5, $0x1;
	s2 =	sadd.s32 s19, s18  }
0x9c: {  	s6 =	simm.s32 $0x0;
	s20 =	sshll.u32 s4, $0x1;
	s4 =	sadd.s32 s21, s2  }
0x9d: {  	[timem:s6], [sflag:s22] =	dma.local [hbm:s4], s20  }
0x9e: {  	_ =	swait.ge [sflag:s22], s20  }
0x9f: {  	s3 =	ssub.s32 $0x0, s20;
	[sflag:s22] =	ssyncset.done $0x0  }
0xa0: {  	[sflag:s22] =	ssyncadd.s32 s3;
	_ =	sdelay $0x1  }
0xa1: {  	s23 =	simm.s32 $0x1B8B  }
0xa2: {  	_ =	swait.ge [sflag:s23], $0x1  }
0xa3: {  	[sflag:s23] =	ssyncset.done $0x0  }
0xa4: {  	s25 =	simm.s32 $0x1B8E;
	s24 =	sld [smem:$0x3FFE];
	[sflag:s23] =	ssyncadd.s32 $0xFFFFFFFF  }
0xa5: {  	s26 =	simm.s32 $execute0_lowered;
	[smem:$0x3FD2] =	sst s25  }
0xa6: {  	s4 =	sshll.u32 s26, $0x1;
	_ =	strace $0x80000052;
	[dreg:$0x1] =	wrdreg $0xFFFFFFFF  }
0xa7: {  	s28 =	simm.s32 $_size_execute0_lowered;
	s2 =	sadd.s32 s2, s4;
	[dreg:$0x0] =	wrdreg $0x0  }
0xa8: {  	s4 =	sshll.u32 s28, $0x1;
	[dreg:$0x2] =	wrdreg s2  }
0xa9: {  	[dreg:$0x3] =	wrdreg s4  }
0xaa: {  	[dreg:$0x4] =	wrdreg $0xC0  }
0xab: {  	_ =	task [dreg:s6], $0x5FFFF  }
0xac: {  	[dreg:$0x1] =	wrdreg $0xFFFFFFFF  }
0xad: {  	[dreg:$0x0] =	wrdreg $0x60  }
0xae: {  	[dreg:$0x2] =	wrdreg s24  }
0xaf: {  	[dreg:$0x3] =	wrdreg $0xA0000  }
0xb0: {  	[dreg:$0x4] =	wrdreg $0x9  }
0xb1: {  	_ =	task.clear_ibuf [dreg:s6], $0x5FFFF;
	_ =	strace $0x90000052  }
0xb2: {  	s29 =	simm.s32 $0x9;
	_ =	strace $0x80000054  }
0xb3: {  	_ =	swait.ge [sflag:s29], $0x1  }
0xb4: {  	[sflag:s29] =	ssyncadd.s32 $0xFFFFFFFF  }
0xb5: {  	_ =	strace $0x90000054  }
0xb6: {  	_ =	sfence  }
0xb7: {  	s30 =	sld [smem:$0x0];
	_ =	sdelay $0x2  }
0xb8: {  	s31 =	sshll.u32 s1, $0xD;
	s1 =	sshrl.u32 s1, $0x2  }
0xb9: {  	s3 =	sand.u32 $0x4000, s31;
	s1 =	sadd.s32 s1, s30  }
0xba: {  	s0 =	sor.u32 s3, s0;
	s1 =	sshll.u32 s1, $0x11  }
0xbb: {  	s0 =	sor.u32 s1, s0  }
0xbc: {  	s0 =	sadd.s32 $0x8F2B, s0  }
0xbd: {  	[sflag:s0] =	ssyncadd.remote.s32 $0x1  }
0xbe: {  	_ =	sfence.sel $0xFFFF  }
0xbf: {  	[dreg:$0x0] =	wrdreg $0xFFFFFFFF;
	(pc) =	sbr.abs _section_cstart, $3  }
0xc0: {  	[dreg:$0x1] =	wrdreg $0xFFFFFFFF  }
0xc1: {  	_ =	task.clear_ibuf [dreg:s6], $0x2FFFF;
	_ =	strace $0x9FFFFFFF  }
0xc2: {  	(tm) =	ssettm $0x7FFFFFFF  }
0xc3: {  	_ =	shalt  }
tec
execute0_lowered:
.L_overlay_start_1:
0x0: {  	(tag) =	ssettag $0x1  }
0x1: {  	s5 =	rddreg [dreg:$0x0]  }
0x2: {  	s0 =	srdreg.scid;
	s2 =	rddreg [dreg:$0x1]  }
0x3: {  	s1 =	rddreg [dreg:$0x2];
	s6 =	sand.u32 $0x1, s0  }
0x4: {  	s3 =	simm.s32 $0x0;
	s0 =	stileid.u32;
	s4 =	smul.u32 $0x30000, s6  }
0x5: {  	s14 =	simm.s32 $0x80;
	s15 =	simm.s32 $0x6000;
	s7 =	smul.u32 $0x3000, s0  }
0x6: {  	s16 =	simm.s32 $0x1;
	[smem:$0x7FF] =	sst s3;
	s26 =	smul.u32 $0x14000, s0  }
0x7: {  	s17 =	simm.s32 $0x0;
	s9 =	smul.u32 $0x140000, s6;
	_ =	strace $0x80000053  }
0x8: {  	s29 =	ssub.s32 $0x2, s6;
	s12 =	smul.u32 $0x50000, s0;
	p0 =	seq.s32 s6, $0x0  }
0x9: {  	s31 =	sshll.u32 s0, $0x6;
	s11 =	sshrl.u32 s29, $0x1;
	s4 =	sadd.s32 s7, s4  }
0xa: {  	s28 =	sshrl.u32 s26, $0x3;
	s7 =	sadd.s32 s26, s9;
	s11 =	ssub.s32 s29, s11  }
0xb: {  	s30 =	sshrl.u32 s12, $0x2;
	s8 =	sshrl.u32 s4, $0x3;
	s4 =	sadd.s32 $0x28200, s5  }
0xc: {  	s7 =	sshrl.u32 s7, $0x3;
	s12 =	sadd.s32 s30, s2;
	s11 =	smax.u32 s11, $0x1  }
0xd: {  	s10 =	sadd.s32 s8, s5;
	s8 =	sadd.s32 s28, s5;
	s13 =	sadd.s32 s7, s5  }
0xe: {  	s5 =	simm.s32 $0x43;
	s7 =	sor.u32 $0x1C02, s31;
	s12 =	sshrl.u32 s12, $0x3  }
0xf: {  	s5 =	simm.s32 @!p0 $0x5F;
	s6 =	sadd.s32 $0x4F400, s8;
	s8 =	sadd.s32 $0x1C200, s10  }
0x10: {  	s9 =	sadd.s32 $0x10200, s10;
	s10 =	sadd.s32 $0x77400, s13;
	s13 =	simm.s32 $0x2  }
.LBB2_1:
0x11: {  	[spmem:s12], [sflag:s7] =	dma.local [hbm:s6], $0x2800  }
0x12: {  	_ =	swait.ge [sflag:s13], $0x2800  }
0x13: {  	[sflag:s13] =	ssyncset.done $0x0  }
0x14: {  	[sflag:s13] =	ssyncadd.s32 $0xFFFFD800  }
0x15: {  	[tilespmem:s3], [sflag:$0x2] =	stream.linear.gather [hbm4b:s8+s3], $0x3000, $0x38;
	[tilespmem:$0x1E000] =	vst v63  }
0x16: {  	_ =	swait.ge [sflag:s13], $0x3000  }
0x17: {  	[sflag:s13] =	ssyncset.done $0x0  }
0x18: {  	s18 =	simm.s32 $0x3000;
	[sflag:s13] =	ssyncadd.s32 $0xFFFFD000  }
0x19: {  	[tilespmem:s18], [sflag:$0x2] =	stream.linear.gather [hbm4b:s9+s3], $0x3000, $0x38;
	[tilespmem:$0x1E000] =	vst v63  }
0x1a: {  	_ =	swait.ge [sflag:s13], $0x3000  }
0x1b: {  	[sflag:s13] =	ssyncset.done $0x0  }
0x1c: {  	[sflag:s13] =	ssyncadd.s32 $0xFFFFD000  }
0x1d: {  	[bflag:$0x0] =	sbarrier.arrive $0xFFFF  }
0x1e: {  	[tilespmem:s15], [sflag:$0x1] =	stream.indirect.gather [hbm4b:s4+s14], $0x80, s3, s14, $0xb8;
	[tilespmem:$0x1E000] =	vst v63  }
0x1f: {  	p0 =	sne.s32 s5, $0x1;
	_ =	swait.ge [sflag:s16], $0x4000  }
.Ltmp0:
0x20: {  	[sflag:s16] =	ssyncset.done $0x0;
	(pc) =	sbr.rel @!p0 .LBB2_3-.Ltmp0, $4  }
0x21: {  	[sflag:s16] =	ssyncadd.s32 $0xFFFFC000  }
0x22: {  	[spmem:s2] =	stream.indirect.scatter.add.f32 [tilespmem:s15], [sflag:$0x2], $0x80, s18, s14, $0xb8;
	[tilespmem:$0x1E000] =	vst v63  }
0x23: {  	_ =	swait.ge [sflag:s13], $0x4000  }
0x24: {  	s19 =	sadd.s32 $0xFFFFFFFF, s5;
	s20 =	simm.s32 $0x0;
	[sflag:s13] =	ssyncset.done $0x0  }
.LBB2_2:
0x25: {  	[sflag:s13] =	ssyncadd.s32 $0xFFFFC000;
	s20 =	sadd.s32 $0x80, s20;
	s18 =	sadd.s32 $0x80, s18  }
0x26: {  	[tilespmem:s15], [sflag:$0x1] =	stream.indirect.gather [hbm4b:s4+s14], $0x80, s20, s14, $0xb8;
	[tilespmem:$0x1E000] =	vst v63  }
0x27: {  	p0 =	sne.s32 s19, $0x1;
	s19 =	sadd.s32 $0xFFFFFFFF, s19;
	_ =	swait.ge [sflag:s16], $0x4000  }
.Ltmp1:
0x28: {  	[sflag:s16] =	ssyncset.done $0x0;
	(pc) =	sbr.rel @p0 .LBB2_2-.Ltmp1, $4  }
0x29: {  	[sflag:s16] =	ssyncadd.s32 $0xFFFFC000  }
0x2a: {  	[spmem:s2] =	stream.indirect.scatter.add.f32 [tilespmem:s15], [sflag:$0x2], $0x80, s18, s14, $0xb8;
	[tilespmem:$0x1E000] =	vst v63  }
0x2b: {  	_ =	swait.ge [sflag:s13], $0x4000  }
0x2c: {  	[sflag:s13] =	ssyncset.done $0x0  }
.LBB2_3:
0x2d: {  	s17 =	sadd.s32 $0x1, s17  }
0x2e: {  	[sflag:s13] =	ssyncadd.s32 $0xFFFFC000;
	p0 =	sne.s32 s17, s11  }
.Ltmp2:
0x2f: {  	[bflag:$0x0] =	sbarrier.arrive $0xFFFF;
	(pc) =	sbr.rel @p0 .LBB2_1-.Ltmp2, $4  }
0x30: {  	[hbm:s10], [sflag:s7] =	dma.local [spmem:s12], $0x2800  }
0x31: {  	_ =	swait.ge [sflag:s13], $0x2800  }
0x32: {  	[sflag:s13] =	ssyncset.done $0x0  }
0x33: {  	[sflag:s13] =	ssyncadd.s32 $0xFFFFD800  }
0x34: {  	_ =	sfence.sel $0x180000  }
0x35: {  	[bflag:$0x0] =	sbarrier.arrive $0xFFFF  }
0x36: {  	p0 =	sne.s32 s0, $0x0;
	_ =	strace $0x90000053  }
0x37: {  	s0 =	sadd.s32 @!p0 $0x100000, s1;
	[bflag:$0x2] =	sbarrier.arrive $0xFFFF  }
0x38: {  	[sflag:s0] =	ssyncadd.tile.s32 @!p0 $0x1;
	_ =	shalt  }
.Lfunc_end2:
_tile_overlayer_lowered:
.L_overlay_start_2:
0x39: {  	(tag) =	ssettag $0x2  }
0x3a: {  	s0 =	rddreg [dreg:$0x0];
	s2 =	stileid.u32  }
0x3b: {  	s1 =	rddreg [dreg:$0x1];
	p0 =	sne.s32 s2, $0x0  }
0x3c: {  	s3 =	rddreg [dreg:$0x2];
	[bflag:$0x3] =	sbarrier.arrive $0xFFFF;
	s2 =	simm.s32 @!p0 $0x1C02  }
0x3d: {  	[timem:s3], [sflag:s2] =	dma.local @!p0 [hbm:s0], s1  }
0x3e: {  	s0 =	simm.s32 @!p0 $0x2  }
0x3f: {  	_ =	swait.ge @!p0 [sflag:s0], s1  }
0x40: {  	s1 =	ssub.s32 @!p0 $0x0, s1;
	[sflag:s0] =	ssyncset.done @!p0 $0x0  }
0x41: {  	[sflag:s0] =	ssyncadd.s32 @!p0 s1  }
0x42: {  	[bflag:$0x3] =	sbarrier.arrive $0xFFFF  }
0x43: {  	_ =	shalt  }

</sc_bundles>
